<compile_context>
chip_gen: v7x
topology: tpu7x:2x2x1
jax: 0.10.2.dev20260603
libtpu: 0.0.44.dev20260713+nightly
codegen_flags: <defaults>
</compile_context>

<pallas_src>
import functools

import jax
import jax.numpy as jnp
from jax import lax
from jax.experimental import pallas as pl
from jax.experimental.pallas import tpu as pltpu
from jax.experimental.pallas import tpu_sc as plsc

N = 16384
A = 26
H = 64
NOBJ = 1024
K = 20
NACT = 8

AH = A * H
BN = 4096
GN = N // BN
NFULL = N + NACT + 1
NW = 32
OBJ_PER_W = NOBJ // NW
IDX_PER_W = OBJ_PER_W * K
CHUNK = 128
NCHUNK = IDX_PER_W // CHUNK

_CONTRACT0 = (((0,), (0,)), ((), ()))


def _entity_tile(valsT_ref, rtq_ref, wf_ref, bf_ref, wa_ref, ba_ref,
                 went_ref, atnT_ref, outT_ref, el2_ref):
    i = pl.program_id(0)

    vt = valsT_ref[...]
    vtb = vt.astype(jnp.bfloat16)
    v_rep = jnp.broadcast_to(vtb[:, None, :], (A, H, BN)).reshape(AH, BN)
    th = jnp.tanh(v_rep * wf_ref[...] + bf_ref[...])
    scoresT = lax.dot_general(rtq_ref[...], th, _CONTRACT0,
                              preferred_element_type=jnp.float32)
    m = jnp.max(scoresT, axis=0, keepdims=True)
    e = jnp.exp(scoresT - m)
    wT = e / jnp.sum(e, axis=0, keepdims=True)
    elT = (lax.dot_general(wa_ref[...], wT * vt, _CONTRACT0,
                           preferred_element_type=jnp.float32)
           + lax.dot_general(ba_ref[...], wT, _CONTRACT0,
                             preferred_element_type=jnp.float32))
    outT_ref[...] = elT
    el2 = lax.dot_general(elT, went_ref[...], _CONTRACT0,
                          preferred_element_type=jnp.float32)
    el2_ref[...] = jnp.concatenate([el2, jnp.zeros_like(el2)], axis=1)

    @pl.when(i == GN)
    def _():
        outT_ref[:, 0:16] = atnT_ref[...]


def _entity_lookup(attr_vals, W_attr, b_attr, q_attn, W_ent, action_table):
    valsT = attr_vals.T
    wf = W_attr.reshape(AH, 1).astype(jnp.bfloat16)
    bf = b_attr.reshape(AH, 1).astype(jnp.bfloat16)
    rtq = (jnp.eye(A, dtype=jnp.float32)[:, None, :]
           * q_attn.reshape(1, H, 1)).reshape(AH, A).astype(jnp.bfloat16)
    atnT = jnp.concatenate(
        [action_table.T, jnp.zeros((H, 16 - NACT), jnp.float32)], axis=1)
    clamp = lambda i: (0, jnp.minimum(i, GN - 1))
    full = lambda *shape: pl.BlockSpec(shape, lambda i: (0,) * len(shape))
    return pl.pallas_call(
        _entity_tile,
        grid=(GN + 1,),
        in_specs=[
            pl.BlockSpec((A, BN), clamp),
            full(AH, A), full(AH, 1), full(AH, 1),
            full(A, H), full(A, H), full(H, H), full(H, 16),
        ],
        out_specs=[
            pl.BlockSpec((H, BN), lambda i: (0, i)),
            pl.BlockSpec((BN, 2 * H), lambda i: (jnp.minimum(i, GN - 1), 0)),
        ],
        out_shape=[
            jax.ShapeDtypeStruct((H, NFULL), jnp.float32),
            jax.ShapeDtypeStruct((N, 2 * H), jnp.float32),
        ],
    )(valsT, rtq, wf, bf, W_attr, b_attr, W_ent, atnT)


def _gather_body(el2_hbm, idx_hbm, out_hbm, idx_v, rows_v, pooled_v, sem):
    wid = lax.axis_index("s") * 2 + lax.axis_index("c")
    pltpu.sync_copy(idx_hbm.at[wid], idx_v)
    copies = [
        pltpu.async_copy(el2_hbm.at[idx_v.at[j]],
                         rows_v.at[pl.ds(j * CHUNK, CHUNK)], sem)
        for j in range(NCHUNK)
    ]
    for c in copies:
        c.wait()

    inv_k = jnp.float32(1.0 / K)

    def body(o, carry):
        for c in range(H // 16):
            acc = rows_v[o * K, pl.ds(c * 16, 16)]
            for k in range(1, K):
                acc = acc + rows_v[o * K + k, pl.ds(c * 16, 16)]
            y = acc * inv_k
            t = 1.0 - 2.0 / (jnp.exp(2.0 * y) + 1.0)
            pooled_v[o, pl.ds(c * 16, 16)] = t
        return carry

    lax.fori_loop(0, OBJ_PER_W, body, 0, unroll=False)
    pltpu.sync_copy(pooled_v, out_hbm.at[pl.ds(wid * OBJ_PER_W, OBJ_PER_W)])


def _gather_pool(el2, idx3d):
    mesh = plsc.VectorSubcoreMesh(core_axis_name="c", subcore_axis_name="s")
    fn = functools.partial(
        pl.kernel,
        mesh=mesh,
        out_type=jax.ShapeDtypeStruct((NOBJ, H), jnp.float32),
        scratch_types=[
            pltpu.VMEM((NCHUNK, CHUNK), jnp.int32),
            pltpu.VMEM((IDX_PER_W, 2 * H), jnp.float32),
            pltpu.VMEM((OBJ_PER_W, H), jnp.float32),
            pltpu.SemaphoreType.DMA,
        ],
    )(_gather_body)
    return fn(el2, idx3d)


def kernel(attr_vals, obs_idx, W_attr, b_attr, q_attn, W_ent, action_table):
    el_fullT, el2 = _entity_lookup(attr_vals, W_attr, b_attr, q_attn,
                                   W_ent, action_table)
    idx3d = obs_idx.astype(jnp.int32).reshape(NW, NCHUNK, CHUNK)
    obs = _gather_pool(el2, idx3d)
    return obs, el_fullT.T

# --- scband reference (transcript-rebuilt; emitter-appended) ---
"""Pipeline reference for scband-env-69475390980358 (READ-ONLY COPY).

The authoritative reference and input builder live on the scoring server;
editing this copy changes nothing except your own understanding.
"""

import jax, jax.numpy as jnp
import numpy as np

N = 16384   # total entities across entity types
A = 26      # attributes per entity (StaticStimulus params)
H = 64      # config.HIDDEN
NOBJ = 1024 # number of observation objects (inp.obs.names)
K = 20      # entity indices gathered per object
NACT = 8    # StaticAction.n


def setup_inputs(seed: int = 0) -> dict:
    key = jax.random.key(seed)
    ks = jax.random.split(key, 8)
    attr_vals = jax.random.normal(ks[0], (N, A), dtype=jnp.float32)
    obs_idx = jax.random.randint(ks[1], (NOBJ, K), 0, N)
    # TaggedInput per-attribute embedding params (scalar -> H)
    W_attr = jax.random.normal(ks[2], (A, H), dtype=jnp.float32) * 0.05
    b_attr = jax.random.normal(ks[3], (A, H), dtype=jnp.float32) * 0.05
    # attribute attention query (net.attributes[name])
    q_attn = jax.random.normal(ks[4], (H,), dtype=jnp.float32) * 0.05
    # entity pooling net (net.entities)
    W_ent = jax.random.normal(ks[5], (H, H), dtype=jnp.float32) * 0.05
    # self.action = nn.Embedding(StaticAction.n, HIDDEN)
    action_table = jax.random.normal(ks[6], (NACT, H), dtype=jnp.float32) * 0.05
    return {
        'attr_vals': attr_vals,
        'obs_idx': obs_idx,
        'W_attr': W_attr,
        'b_attr': b_attr,
        'q_attn': q_attn,
        'W_ent': W_ent,
        'action_table': action_table,
    }


def reference(attr_vals, obs_idx, W_attr, b_attr, q_attn, W_ent, action_table):
    # --- self.attrs: embed each attribute of each entity (TaggedInput) ---
    # scalar attribute value -> H-dim embedding: val * W[a] + b[a]
    emb = attr_vals[:, :, None] * W_attr[None, :, :] + b_attr[None, :, :]  # [N, A, H]
    # attn(embeddings): attention pooling over the attribute axis
    scores = jnp.einsum('nah,h->na', jnp.tanh(emb), q_attn)               # [N, A]
    w = jax.nn.softmax(scores, axis=-1)
    entityLookup = jnp.einsum('na,nah->nh', w, emb)                       # [N, H]
    # --- per observation object: gather entity embeddings by idxs ---
    gathered = jnp.take(entityLookup, obs_idx, axis=0)                    # [NOBJ, K, H]
    # net.entities(emb): pool gathered entities then project
    pooled = gathered.mean(axis=1)                                        # [NOBJ, H]
    observationTensor = jnp.tanh(pooled @ W_ent)                          # [NOBJ, H]
    # --- self.actions: embed each action argument, append zero pad ---
    atn_idx = jnp.arange(NACT)
    atn_emb = jnp.take(action_table, atn_idx, axis=0)                     # [NACT, H]
    pad = atn_emb[-1:] * 0.0
    entityLookup_full = jnp.concatenate([entityLookup, atn_emb, pad], axis=0)
    return observationTensor, entityLookup_full

if __name__ == "__main__":
    import jax
    _d = setup_inputs()
    print(jax.jit(kernel)(*tuple(_d.values())))

</pallas_src>

<mosaic_0001>
#map = affine_map<(d0, d1) -> (0, 0)>
#map1 = affine_map<(d0, d1) -> (0, 0, 0)>
module attributes {stable_mosaic.version = 14 : i64} {
  func.func @_gather_body(%arg0: i32, %arg1: i32, %arg2: memref<16384x128xf32, #tpu.memory_space<hbm>>, %arg3: memref<32x5x128xi32, #tpu.memory_space<hbm>>, %arg4: memref<1024x64xf32, #tpu.memory_space<hbm>>, %arg5: memref<5x128xi32, #tpu.memory_space<vmem>>, %arg6: memref<640x128xf32, #tpu.memory_space<vmem>>, %arg7: memref<32x64xf32, #tpu.memory_space<vmem>>, %arg8: memref<!tpu.dma_semaphore, #tpu.memory_space<semaphore_mem>>) attributes {dimension_semantics = [#tpu.dimension_semantics<core_parallel>, #tpu.dimension_semantics<subcore_parallel>], iteration_bounds = array<i64: 2, 16>, scalar_prefetch = 0 : i64, scratch_operands = 4 : i64, tpu.core_type = #tpu.core_type<sc_vector_subcore>, window_params = [{transform_indices = #map}, {transform_indices = #map1}, {transform_indices = #map}]} {
    %mul3A = arith.constant 2 : i32
    %mul3A_0 = arith.muli %arg1, %mul3A : i32
    %add3A = arith.addi %mul3A_0, %arg0 : i32
    "tpu.region"() ({
      %run_scoped3A = tpu.sem_alloc : memref<!tpu.dma_semaphore, #tpu.memory_space<semaphore_mem>>
      %dma_start3A_107 = arith.constant 0 : i32
      %dma_start3A_108 = arith.constant 0 : i32
      %dma_start3A_109 = tpu.memref_slice %arg3[%add3A, %dma_start3A_107, %dma_start3A_108] : memref<32x5x128xi32, #tpu.memory_space<hbm>> -> memref<1x5x128xi32, #tpu.memory_space<hbm>>
      %dma_start3A_110 = tpu.memref_squeeze %dma_start3A_109 : memref<1x5x128xi32, #tpu.memory_space<hbm>> -> memref<5x128xi32, #tpu.memory_space<hbm>>
      %dma_start3A_111 = arith.constant 0 : i32
      %dma_start3A_112 = arith.constant 0 : i32
      %dma_start3A_113 = tpu.memref_slice %arg3[%add3A, %dma_start3A_111, %dma_start3A_112] : memref<32x5x128xi32, #tpu.memory_space<hbm>> -> memref<1x5x128xi32, #tpu.memory_space<hbm>>
      %dma_start3A_114 = tpu.memref_squeeze %dma_start3A_113 : memref<1x5x128xi32, #tpu.memory_space<hbm>> -> memref<5x128xi32, #tpu.memory_space<hbm>>
      tpu.enqueue_dma source(%dma_start3A_114 : memref<5x128xi32, #tpu.memory_space<hbm>>) target(%arg5 : memref<5x128xi32, #tpu.memory_space<vmem>>) target_semaphore(%run_scoped3A : memref<!tpu.dma_semaphore, #tpu.memory_space<semaphore_mem>>)
      %dma_wait3A_115 = arith.constant 0 : i32
      %dma_wait3A_116 = arith.constant 0 : i32
      %dma_wait3A_117 = tpu.memref_slice %arg3[%add3A, %dma_wait3A_115, %dma_wait3A_116] : memref<32x5x128xi32, #tpu.memory_space<hbm>> -> memref<1x5x128xi32, #tpu.memory_space<hbm>>
      %dma_wait3A_118 = tpu.memref_squeeze %dma_wait3A_117 : memref<1x5x128xi32, #tpu.memory_space<hbm>> -> memref<5x128xi32, #tpu.memory_space<hbm>>
      %dma_wait3A_119 = arith.constant 0 : i32
      %dma_wait3A_120 = arith.constant 0 : i32
      %dma_wait3A_121 = tpu.memref_slice %arg3[%add3A, %dma_wait3A_119, %dma_wait3A_120] : memref<32x5x128xi32, #tpu.memory_space<hbm>> -> memref<1x5x128xi32, #tpu.memory_space<hbm>>
      %dma_wait3A_122 = tpu.memref_squeeze %dma_wait3A_121 : memref<1x5x128xi32, #tpu.memory_space<hbm>> -> memref<5x128xi32, #tpu.memory_space<hbm>>
      tpu.wait_dma2 semaphore(%run_scoped3A : memref<!tpu.dma_semaphore, #tpu.memory_space<semaphore_mem>>) src(%dma_wait3A_122 : memref<5x128xi32, #tpu.memory_space<hbm>>) dst(%arg5 : memref<5x128xi32, #tpu.memory_space<vmem>>)
      tpu.yield
    }) : () -> ()
    %dma_start3A = arith.constant 0 : i32
    %dma_start3A_1 = arith.constant 0 : i32
    %dma_start3A_2 = arith.constant 0 : i32
    %dma_start3A_3 = tpu.memref_slice %arg6[%dma_start3A_1, %dma_start3A_2] : memref<640x128xf32, #tpu.memory_space<vmem>> -> memref<128x128xf32, #tpu.memory_space<vmem>>
    %dma_start3A_4 = arith.constant 0 : i32
    %dma_start3A_5 = tpu.memref_slice %arg5[%dma_start3A, %dma_start3A_4] : memref<5x128xi32, #tpu.memory_space<vmem>> -> memref<1x128xi32, #tpu.memory_space<vmem>>
    %dma_start3A_6 = tpu.memref_squeeze %dma_start3A_5 : memref<1x128xi32, #tpu.memory_space<vmem>> -> memref<128xi32, #tpu.memory_space<vmem>>
    %dma_start3A_7 = arith.constant 0 : i32
    %dma_start3A_8 = arith.constant 0 : i32
    %dma_start3A_9 = tpu.memref_slice %arg2[%dma_start3A_7, %dma_start3A_8] : memref<16384x128xf32, #tpu.memory_space<hbm>> -> memref<16384x128xf32, #tpu.memory_space<hbm>>
    tpu.enqueue_indirect_dma source(%dma_start3A_9 : memref<16384x128xf32, #tpu.memory_space<hbm>>) target(%dma_start3A_3 : memref<128x128xf32, #tpu.memory_space<vmem>>) offsets(%dma_start3A_6 : memref<128xi32, #tpu.memory_space<vmem>>) semaphore(%arg8 : memref<!tpu.dma_semaphore, #tpu.memory_space<semaphore_mem>>)
    %dma_start3A_10 = arith.constant 1 : i32
    %dma_start3A_11 = arith.constant 128 : i32
    %dma_start3A_12 = arith.constant 0 : i32
    %dma_start3A_13 = tpu.memref_slice %arg6[%dma_start3A_11, %dma_start3A_12] : memref<640x128xf32, #tpu.memory_space<vmem>> -> memref<128x128xf32, #tpu.memory_space<vmem>>
    %dma_start3A_14 = arith.constant 0 : i32
    %dma_start3A_15 = tpu.memref_slice %arg5[%dma_start3A_10, %dma_start3A_14] : memref<5x128xi32, #tpu.memory_space<vmem>> -> memref<1x128xi32, #tpu.memory_space<vmem>>
    %dma_start3A_16 = tpu.memref_squeeze %dma_start3A_15 : memref<1x128xi32, #tpu.memory_space<vmem>> -> memref<128xi32, #tpu.memory_space<vmem>>
    %dma_start3A_17 = arith.constant 0 : i32
    %dma_start3A_18 = arith.constant 0 : i32
    %dma_start3A_19 = tpu.memref_slice %arg2[%dma_start3A_17, %dma_start3A_18] : memref<16384x128xf32, #tpu.memory_space<hbm>> -> memref<16384x128xf32, #tpu.memory_space<hbm>>
    tpu.enqueue_indirect_dma source(%dma_start3A_19 : memref<16384x128xf32, #tpu.memory_space<hbm>>) target(%dma_start3A_13 : memref<128x128xf32, #tpu.memory_space<vmem>>) offsets(%dma_start3A_16 : memref<128xi32, #tpu.memory_space<vmem>>) semaphore(%arg8 : memref<!tpu.dma_semaphore, #tpu.memory_space<semaphore_mem>>)
    %dma_start3A_20 = arith.constant 2 : i32
    %dma_start3A_21 = arith.constant 256 : i32
    %dma_start3A_22 = arith.constant 0 : i32
    %dma_start3A_23 = tpu.memref_slice %arg6[%dma_start3A_21, %dma_start3A_22] : memref<640x128xf32, #tpu.memory_space<vmem>> -> memref<128x128xf32, #tpu.memory_space<vmem>>
    %dma_start3A_24 = arith.constant 0 : i32
    %dma_start3A_25 = tpu.memref_slice %arg5[%dma_start3A_20, %dma_start3A_24] : memref<5x128xi32, #tpu.memory_space<vmem>> -> memref<1x128xi32, #tpu.memory_space<vmem>>
    %dma_start3A_26 = tpu.memref_squeeze %dma_start3A_25 : memref<1x128xi32, #tpu.memory_space<vmem>> -> memref<128xi32, #tpu.memory_space<vmem>>
    %dma_start3A_27 = arith.constant 0 : i32
    %dma_start3A_28 = arith.constant 0 : i32
    %dma_start3A_29 = tpu.memref_slice %arg2[%dma_start3A_27, %dma_start3A_28] : memref<16384x128xf32, #tpu.memory_space<hbm>> -> memref<16384x128xf32, #tpu.memory_space<hbm>>
    tpu.enqueue_indirect_dma source(%dma_start3A_29 : memref<16384x128xf32, #tpu.memory_space<hbm>>) target(%dma_start3A_23 : memref<128x128xf32, #tpu.memory_space<vmem>>) offsets(%dma_start3A_26 : memref<128xi32, #tpu.memory_space<vmem>>) semaphore(%arg8 : memref<!tpu.dma_semaphore, #tpu.memory_space<semaphore_mem>>)
    %dma_start3A_30 = arith.constant 3 : i32
    %dma_start3A_31 = arith.constant 384 : i32
    %dma_start3A_32 = arith.constant 0 : i32
    %dma_start3A_33 = tpu.memref_slice %arg6[%dma_start3A_31, %dma_start3A_32] : memref<640x128xf32, #tpu.memory_space<vmem>> -> memref<128x128xf32, #tpu.memory_space<vmem>>
    %dma_start3A_34 = arith.constant 0 : i32
    %dma_start3A_35 = tpu.memref_slice %arg5[%dma_start3A_30, %dma_start3A_34] : memref<5x128xi32, #tpu.memory_space<vmem>> -> memref<1x128xi32, #tpu.memory_space<vmem>>
    %dma_start3A_36 = tpu.memref_squeeze %dma_start3A_35 : memref<1x128xi32, #tpu.memory_space<vmem>> -> memref<128xi32, #tpu.memory_space<vmem>>
    %dma_start3A_37 = arith.constant 0 : i32
    %dma_start3A_38 = arith.constant 0 : i32
    %dma_start3A_39 = tpu.memref_slice %arg2[%dma_start3A_37, %dma_start3A_38] : memref<16384x128xf32, #tpu.memory_space<hbm>> -> memref<16384x128xf32, #tpu.memory_space<hbm>>
    tpu.enqueue_indirect_dma source(%dma_start3A_39 : memref<16384x128xf32, #tpu.memory_space<hbm>>) target(%dma_start3A_33 : memref<128x128xf32, #tpu.memory_space<vmem>>) offsets(%dma_start3A_36 : memref<128xi32, #tpu.memory_space<vmem>>) semaphore(%arg8 : memref<!tpu.dma_semaphore, #tpu.memory_space<semaphore_mem>>)
    %dma_start3A_40 = arith.constant 4 : i32
    %dma_start3A_41 = arith.constant 512 : i32
    %dma_start3A_42 = arith.constant 0 : i32
    %dma_start3A_43 = tpu.memref_slice %arg6[%dma_start3A_41, %dma_start3A_42] : memref<640x128xf32, #tpu.memory_space<vmem>> -> memref<128x128xf32, #tpu.memory_space<vmem>>
    %dma_start3A_44 = arith.constant 0 : i32
    %dma_start3A_45 = tpu.memref_slice %arg5[%dma_start3A_40, %dma_start3A_44] : memref<5x128xi32, #tpu.memory_space<vmem>> -> memref<1x128xi32, #tpu.memory_space<vmem>>
    %dma_start3A_46 = tpu.memref_squeeze %dma_start3A_45 : memref<1x128xi32, #tpu.memory_space<vmem>> -> memref<128xi32, #tpu.memory_space<vmem>>
    %dma_start3A_47 = arith.constant 0 : i32
    %dma_start3A_48 = arith.constant 0 : i32
    %dma_start3A_49 = tpu.memref_slice %arg2[%dma_start3A_47, %dma_start3A_48] : memref<16384x128xf32, #tpu.memory_space<hbm>> -> memref<16384x128xf32, #tpu.memory_space<hbm>>
    tpu.enqueue_indirect_dma source(%dma_start3A_49 : memref<16384x128xf32, #tpu.memory_space<hbm>>) target(%dma_start3A_43 : memref<128x128xf32, #tpu.memory_space<vmem>>) offsets(%dma_start3A_46 : memref<128xi32, #tpu.memory_space<vmem>>) semaphore(%arg8 : memref<!tpu.dma_semaphore, #tpu.memory_space<semaphore_mem>>)
    %dma_wait3A = arith.constant 0 : i32
    %dma_wait3A_50 = arith.constant 0 : i32
    %dma_wait3A_51 = arith.constant 0 : i32
    %dma_wait3A_52 = tpu.memref_slice %arg6[%dma_wait3A_50, %dma_wait3A_51] : memref<640x128xf32, #tpu.memory_space<vmem>> -> memref<128x128xf32, #tpu.memory_space<vmem>>
    %dma_wait3A_53 = arith.constant 0 : i32
    %dma_wait3A_54 = tpu.memref_slice %arg5[%dma_wait3A, %dma_wait3A_53] : memref<5x128xi32, #tpu.memory_space<vmem>> -> memref<1x128xi32, #tpu.memory_space<vmem>>
    %dma_wait3A_55 = tpu.memref_squeeze %dma_wait3A_54 : memref<1x128xi32, #tpu.memory_space<vmem>> -> memref<128xi32, #tpu.memory_space<vmem>>
    %dma_wait3A_56 = arith.constant 0 : i32
    %dma_wait3A_57 = arith.constant 0 : i32
    %dma_wait3A_58 = tpu.memref_slice %arg2[%dma_wait3A_56, %dma_wait3A_57] : memref<16384x128xf32, #tpu.memory_space<hbm>> -> memref<16384x128xf32, #tpu.memory_space<hbm>>
    tpu.wait_indirect_dma semaphore(%arg8 : memref<!tpu.dma_semaphore, #tpu.memory_space<semaphore_mem>>) src(%dma_wait3A_58 : memref<16384x128xf32, #tpu.memory_space<hbm>>) dst(%dma_wait3A_52 : memref<128x128xf32, #tpu.memory_space<vmem>>)
    %dma_wait3A_59 = arith.constant 1 : i32
    %dma_wait3A_60 = arith.constant 128 : i32
    %dma_wait3A_61 = arith.constant 0 : i32
    %dma_wait3A_62 = tpu.memref_slice %arg6[%dma_wait3A_60, %dma_wait3A_61] : memref<640x128xf32, #tpu.memory_space<vmem>> -> memref<128x128xf32, #tpu.memory_space<vmem>>
    %dma_wait3A_63 = arith.constant 0 : i32
    %dma_wait3A_64 = tpu.memref_slice %arg5[%dma_wait3A_59, %dma_wait3A_63] : memref<5x128xi32, #tpu.memory_space<vmem>> -> memref<1x128xi32, #tpu.memory_space<vmem>>
    %dma_wait3A_65 = tpu.memref_squeeze %dma_wait3A_64 : memref<1x128xi32, #tpu.memory_space<vmem>> -> memref<128xi32, #tpu.memory_space<vmem>>
    %dma_wait3A_66 = arith.constant 0 : i32
    %dma_wait3A_67 = arith.constant 0 : i32
    %dma_wait3A_68 = tpu.memref_slice %arg2[%dma_wait3A_66, %dma_wait3A_67] : memref<16384x128xf32, #tpu.memory_space<hbm>> -> memref<16384x128xf32, #tpu.memory_space<hbm>>
    tpu.wait_indirect_dma semaphore(%arg8 : memref<!tpu.dma_semaphore, #tpu.memory_space<semaphore_mem>>) src(%dma_wait3A_68 : memref<16384x128xf32, #tpu.memory_space<hbm>>) dst(%dma_wait3A_62 : memref<128x128xf32, #tpu.memory_space<vmem>>)
    %dma_wait3A_69 = arith.constant 2 : i32
    %dma_wait3A_70 = arith.constant 256 : i32
    %dma_wait3A_71 = arith.constant 0 : i32
    %dma_wait3A_72 = tpu.memref_slice %arg6[%dma_wait3A_70, %dma_wait3A_71] : memref<640x128xf32, #tpu.memory_space<vmem>> -> memref<128x128xf32, #tpu.memory_space<vmem>>
    %dma_wait3A_73 = arith.constant 0 : i32
    %dma_wait3A_74 = tpu.memref_slice %arg5[%dma_wait3A_69, %dma_wait3A_73] : memref<5x128xi32, #tpu.memory_space<vmem>> -> memref<1x128xi32, #tpu.memory_space<vmem>>
    %dma_wait3A_75 = tpu.memref_squeeze %dma_wait3A_74 : memref<1x128xi32, #tpu.memory_space<vmem>> -> memref<128xi32, #tpu.memory_space<vmem>>
    %dma_wait3A_76 = arith.constant 0 : i32
    %dma_wait3A_77 = arith.constant 0 : i32
    %dma_wait3A_78 = tpu.memref_slice %arg2[%dma_wait3A_76, %dma_wait3A_77] : memref<16384x128xf32, #tpu.memory_space<hbm>> -> memref<16384x128xf32, #tpu.memory_space<hbm>>
    tpu.wait_indirect_dma semaphore(%arg8 : memref<!tpu.dma_semaphore, #tpu.memory_space<semaphore_mem>>) src(%dma_wait3A_78 : memref<16384x128xf32, #tpu.memory_space<hbm>>) dst(%dma_wait3A_72 : memref<128x128xf32, #tpu.memory_space<vmem>>)
    %dma_wait3A_79 = arith.constant 3 : i32
    %dma_wait3A_80 = arith.constant 384 : i32
    %dma_wait3A_81 = arith.constant 0 : i32
    %dma_wait3A_82 = tpu.memref_slice %arg6[%dma_wait3A_80, %dma_wait3A_81] : memref<640x128xf32, #tpu.memory_space<vmem>> -> memref<128x128xf32, #tpu.memory_space<vmem>>
    %dma_wait3A_83 = arith.constant 0 : i32
    %dma_wait3A_84 = tpu.memref_slice %arg5[%dma_wait3A_79, %dma_wait3A_83] : memref<5x128xi32, #tpu.memory_space<vmem>> -> memref<1x128xi32, #tpu.memory_space<vmem>>
    %dma_wait3A_85 = tpu.memref_squeeze %dma_wait3A_84 : memref<1x128xi32, #tpu.memory_space<vmem>> -> memref<128xi32, #tpu.memory_space<vmem>>
    %dma_wait3A_86 = arith.constant 0 : i32
    %dma_wait3A_87 = arith.constant 0 : i32
    %dma_wait3A_88 = tpu.memref_slice %arg2[%dma_wait3A_86, %dma_wait3A_87] : memref<16384x128xf32, #tpu.memory_space<hbm>> -> memref<16384x128xf32, #tpu.memory_space<hbm>>
    tpu.wait_indirect_dma semaphore(%arg8 : memref<!tpu.dma_semaphore, #tpu.memory_space<semaphore_mem>>) src(%dma_wait3A_88 : memref<16384x128xf32, #tpu.memory_space<hbm>>) dst(%dma_wait3A_82 : memref<128x128xf32, #tpu.memory_space<vmem>>)
    %dma_wait3A_89 = arith.constant 4 : i32
    %dma_wait3A_90 = arith.constant 512 : i32
    %dma_wait3A_91 = arith.constant 0 : i32
    %dma_wait3A_92 = tpu.memref_slice %arg6[%dma_wait3A_90, %dma_wait3A_91] : memref<640x128xf32, #tpu.memory_space<vmem>> -> memref<128x128xf32, #tpu.memory_space<vmem>>
    %dma_wait3A_93 = arith.constant 0 : i32
    %dma_wait3A_94 = tpu.memref_slice %arg5[%dma_wait3A_89, %dma_wait3A_93] : memref<5x128xi32, #tpu.memory_space<vmem>> -> memref<1x128xi32, #tpu.memory_space<vmem>>
    %dma_wait3A_95 = tpu.memref_squeeze %dma_wait3A_94 : memref<1x128xi32, #tpu.memory_space<vmem>> -> memref<128xi32, #tpu.memory_space<vmem>>
    %dma_wait3A_96 = arith.constant 0 : i32
    %dma_wait3A_97 = arith.constant 0 : i32
    %dma_wait3A_98 = tpu.memref_slice %arg2[%dma_wait3A_96, %dma_wait3A_97] : memref<16384x128xf32, #tpu.memory_space<hbm>> -> memref<16384x128xf32, #tpu.memory_space<hbm>>
    tpu.wait_indirect_dma semaphore(%arg8 : memref<!tpu.dma_semaphore, #tpu.memory_space<semaphore_mem>>) src(%dma_wait3A_98 : memref<16384x128xf32, #tpu.memory_space<hbm>>) dst(%dma_wait3A_92 : memref<128x128xf32, #tpu.memory_space<vmem>>)
    %scan3A = arith.constant 0 : i32
    %scan3A_99 = arith.constant 5.000000e-02 : f32
    %scan3A_100 = arith.constant 0 : i32
    %scan3A_101 = arith.constant 32 : i32
    %scan3A_102 = arith.addi %scan3A_100, %scan3A_101 : i32
    %scan3A_103 = arith.constant 1 : i32
    scf.for %scan3A_107 = %scan3A_100 to %scan3A_102 step %scan3A_103  : i32 {
      %mul3A_108 = arith.constant 20 : i32
      %mul3A_109 = arith.muli %scan3A_107, %mul3A_108 : i32
      %get3A = arith.index_cast %mul3A_109 : i32 to index
      %get3A_110 = arith.constant 0 : index
      %get3A_111 = tpu.vector_load %arg6[%get3A, %get3A_110] {strides = array<i32>} : memref<640x128xf32, #tpu.memory_space<vmem>>, vector<1x16xf32>,
      %get3A_112 = vector.shape_cast %get3A_111 : vector<1x16xf32> to vector<16xf32>
      %mul3A_113 = arith.constant 20 : i32
      %mul3A_114 = arith.muli %scan3A_107, %mul3A_113 : i32
      %add3A_115 = arith.constant 1 : i32
      %add3A_116 = arith.addi %mul3A_114, %add3A_115 : i32
      %get3A_117 = arith.index_cast %add3A_116 : i32 to index
      %get3A_118 = arith.constant 0 : index
      %get3A_119 = tpu.vector_load %arg6[%get3A_117, %get3A_118] {strides = array<i32>} : memref<640x128xf32, #tpu.memory_space<vmem>>, vector<1x16xf32>,
      %get3A_120 = vector.shape_cast %get3A_119 : vector<1x16xf32> to vector<16xf32>
      %add3A_121 = arith.addf %get3A_112, %get3A_120 : vector<16xf32>
      %mul3A_122 = arith.constant 20 : i32
      %mul3A_123 = arith.muli %scan3A_107, %mul3A_122 : i32
      %add3A_124 = arith.constant 2 : i32
      %add3A_125 = arith.addi %mul3A_123, %add3A_124 : i32
      %get3A_126 = arith.index_cast %add3A_125 : i32 to index
      %get3A_127 = arith.constant 0 : index
      %get3A_128 = tpu.vector_load %arg6[%get3A_126, %get3A_127] {strides = array<i32>} : memref<640x128xf32, #tpu.memory_space<vmem>>, vector<1x16xf32>,
      %get3A_129 = vector.shape_cast %get3A_128 : vector<1x16xf32> to vector<16xf32>
      %add3A_130 = arith.addf %add3A_121, %get3A_129 : vector<16xf32>
      %mul3A_131 = arith.constant 20 : i32
      %mul3A_132 = arith.muli %scan3A_107, %mul3A_131 : i32
      %add3A_133 = arith.constant 3 : i32
      %add3A_134 = arith.addi %mul3A_132, %add3A_133 : i32
      %get3A_135 = arith.index_cast %add3A_134 : i32 to index
      %get3A_136 = arith.constant 0 : index
      %get3A_137 = tpu.vector_load %arg6[%get3A_135, %get3A_136] {strides = array<i32>} : memref<640x128xf32, #tpu.memory_space<vmem>>, vector<1x16xf32>,
      %get3A_138 = vector.shape_cast %get3A_137 : vector<1x16xf32> to vector<16xf32>
      %add3A_139 = arith.addf %add3A_130, %get3A_138 : vector<16xf32>
      %mul3A_140 = arith.constant 20 : i32
      %mul3A_141 = arith.muli %scan3A_107, %mul3A_140 : i32
      %add3A_142 = arith.constant 4 : i32
      %add3A_143 = arith.addi %mul3A_141, %add3A_142 : i32
      %get3A_144 = arith.index_cast %add3A_143 : i32 to index
      %get3A_145 = arith.constant 0 : index
      %get3A_146 = tpu.vector_load %arg6[%get3A_144, %get3A_145] {strides = array<i32>} : memref<640x128xf32, #tpu.memory_space<vmem>>, vector<1x16xf32>,
      %get3A_147 = vector.shape_cast %get3A_146 : vector<1x16xf32> to vector<16xf32>
      %add3A_148 = arith.addf %add3A_139, %get3A_147 : vector<16xf32>
      %mul3A_149 = arith.constant 20 : i32
      %mul3A_150 = arith.muli %scan3A_107, %mul3A_149 : i32
      %add3A_151 = arith.constant 5 : i32
      %add3A_152 = arith.addi %mul3A_150, %add3A_151 : i32
      %get3A_153 = arith.index_cast %add3A_152 : i32 to index
      %get3A_154 = arith.constant 0 : index
      %get3A_155 = tpu.vector_load %arg6[%get3A_153, %get3A_154] {strides = array<i32>} : memref<640x128xf32, #tpu.memory_space<vmem>>, vector<1x16xf32>,
      %get3A_156 = vector.shape_cast %get3A_155 : vector<1x16xf32> to vector<16xf32>
      %add3A_157 = arith.addf %add3A_148, %get3A_156 : vector<16xf32>
      %mul3A_158 = arith.constant 20 : i32
      %mul3A_159 = arith.muli %scan3A_107, %mul3A_158 : i32
      %add3A_160 = arith.constant 6 : i32
      %add3A_161 = arith.addi %mul3A_159, %add3A_160 : i32
      %get3A_162 = arith.index_cast %add3A_161 : i32 to index
      %get3A_163 = arith.constant 0 : index
      %get3A_164 = tpu.vector_load %arg6[%get3A_162, %get3A_163] {strides = array<i32>} : memref<640x128xf32, #tpu.memory_space<vmem>>, vector<1x16xf32>,
      %get3A_165 = vector.shape_cast %get3A_164 : vector<1x16xf32> to vector<16xf32>
      %add3A_166 = arith.addf %add3A_157, %get3A_165 : vector<16xf32>
      %mul3A_167 = arith.constant 20 : i32
      %mul3A_168 = arith.muli %scan3A_107, %mul3A_167 : i32
      %add3A_169 = arith.constant 7 : i32
      %add3A_170 = arith.addi %mul3A_168, %add3A_169 : i32
      %get3A_171 = arith.index_cast %add3A_170 : i32 to index
      %get3A_172 = arith.constant 0 : index
      %get3A_173 = tpu.vector_load %arg6[%get3A_171, %get3A_172] {strides = array<i32>} : memref<640x128xf32, #tpu.memory_space<vmem>>, vector<1x16xf32>,
      %get3A_174 = vector.shape_cast %get3A_173 : vector<1x16xf32> to vector<16xf32>
      %add3A_175 = arith.addf %add3A_166, %get3A_174 : vector<16xf32>
      %mul3A_176 = arith.constant 20 : i32
      %mul3A_177 = arith.muli %scan3A_107, %mul3A_176 : i32
      %add3A_178 = arith.constant 8 : i32
      %add3A_179 = arith.addi %mul3A_177, %add3A_178 : i32
      %get3A_180 = arith.index_cast %add3A_179 : i32 to index
      %get3A_181 = arith.constant 0 : index
      %get3A_182 = tpu.vector_load %arg6[%get3A_180, %get3A_181] {strides = array<i32>} : memref<640x128xf32, #tpu.memory_space<vmem>>, vector<1x16xf32>,
      %get3A_183 = vector.shape_cast %get3A_182 : vector<1x16xf32> to vector<16xf32>
      %add3A_184 = arith.addf %add3A_175, %get3A_183 : vector<16xf32>
      %mul3A_185 = arith.constant 20 : i32
      %mul3A_186 = arith.muli %scan3A_107, %mul3A_185 : i32
      %add3A_187 = arith.constant 9 : i32
      %add3A_188 = arith.addi %mul3A_186, %add3A_187 : i32
      %get3A_189 = arith.index_cast %add3A_188 : i32 to index
      %get3A_190 = arith.constant 0 : index
      %get3A_191 = tpu.vector_load %arg6[%get3A_189, %get3A_190] {strides = array<i32>} : memref<640x128xf32, #tpu.memory_space<vmem>>, vector<1x16xf32>,
      %get3A_192 = vector.shape_cast %get3A_191 : vector<1x16xf32> to vector<16xf32>
      %add3A_193 = arith.addf %add3A_184, %get3A_192 : vector<16xf32>
      %mul3A_194 = arith.constant 20 : i32
      %mul3A_195 = arith.muli %scan3A_107, %mul3A_194 : i32
      %add3A_196 = arith.constant 10 : i32
      %add3A_197 = arith.addi %mul3A_195, %add3A_196 : i32
      %get3A_198 = arith.index_cast %add3A_197 : i32 to index
      %get3A_199 = arith.constant 0 : index
      %get3A_200 = tpu.vector_load %arg6[%get3A_198, %get3A_199] {strides = array<i32>} : memref<640x128xf32, #tpu.memory_space<vmem>>, vector<1x16xf32>,
      %get3A_201 = vector.shape_cast %get3A_200 : vector<1x16xf32> to vector<16xf32>
      %add3A_202 = arith.addf %add3A_193, %get3A_201 : vector<16xf32>
      %mul3A_203 = arith.constant 20 : i32
      %mul3A_204 = arith.muli %scan3A_107, %mul3A_203 : i32
      %add3A_205 = arith.constant 11 : i32
      %add3A_206 = arith.addi %mul3A_204, %add3A_205 : i32
      %get3A_207 = arith.index_cast %add3A_206 : i32 to index
      %get3A_208 = arith.constant 0 : index
      %get3A_209 = tpu.vector_load %arg6[%get3A_207, %get3A_208] {strides = array<i32>} : memref<640x128xf32, #tpu.memory_space<vmem>>, vector<1x16xf32>,
      %get3A_210 = vector.shape_cast %get3A_209 : vector<1x16xf32> to vector<16xf32>
      %add3A_211 = arith.addf %add3A_202, %get3A_210 : vector<16xf32>
      %mul3A_212 = arith.constant 20 : i32
      %mul3A_213 = arith.muli %scan3A_107, %mul3A_212 : i32
      %add3A_214 = arith.constant 12 : i32
      %add3A_215 = arith.addi %mul3A_213, %add3A_214 : i32
      %get3A_216 = arith.index_cast %add3A_215 : i32 to index
      %get3A_217 = arith.constant 0 : index
      %get3A_218 = tpu.vector_load %arg6[%get3A_216, %get3A_217] {strides = array<i32>} : memref<640x128xf32, #tpu.memory_space<vmem>>, vector<1x16xf32>,
      %get3A_219 = vector.shape_cast %get3A_218 : vector<1x16xf32> to vector<16xf32>
      %add3A_220 = arith.addf %add3A_211, %get3A_219 : vector<16xf32>
      %mul3A_221 = arith.constant 20 : i32
      %mul3A_222 = arith.muli %scan3A_107, %mul3A_221 : i32
      %add3A_223 = arith.constant 13 : i32
      %add3A_224 = arith.addi %mul3A_222, %add3A_223 : i32
      %get3A_225 = arith.index_cast %add3A_224 : i32 to index
      %get3A_226 = arith.constant 0 : index
      %get3A_227 = tpu.vector_load %arg6[%get3A_225, %get3A_226] {strides = array<i32>} : memref<640x128xf32, #tpu.memory_space<vmem>>, vector<1x16xf32>,
      %get3A_228 = vector.shape_cast %get3A_227 : vector<1x16xf32> to vector<16xf32>
      %add3A_229 = arith.addf %add3A_220, %get3A_228 : vector<16xf32>
      %mul3A_230 = arith.constant 20 : i32
      %mul3A_231 = arith.muli %scan3A_107, %mul3A_230 : i32
      %add3A_232 = arith.constant 14 : i32
      %add3A_233 = arith.addi %mul3A_231, %add3A_232 : i32
      %get3A_234 = arith.index_cast %add3A_233 : i32 to index
      %get3A_235 = arith.constant 0 : index
      %get3A_236 = tpu.vector_load %arg6[%get3A_234, %get3A_235] {strides = array<i32>} : memref<640x128xf32, #tpu.memory_space<vmem>>, vector<1x16xf32>,
      %get3A_237 = vector.shape_cast %get3A_236 : vector<1x16xf32> to vector<16xf32>
      %add3A_238 = arith.addf %add3A_229, %get3A_237 : vector<16xf32>
      %mul3A_239 = arith.constant 20 : i32
      %mul3A_240 = arith.muli %scan3A_107, %mul3A_239 : i32
      %add3A_241 = arith.constant 15 : i32
      %add3A_242 = arith.addi %mul3A_240, %add3A_241 : i32
      %get3A_243 = arith.index_cast %add3A_242 : i32 to index
      %get3A_244 = arith.constant 0 : index
      %get3A_245 = tpu.vector_load %arg6[%get3A_243, %get3A_244] {strides = array<i32>} : memref<640x128xf32, #tpu.memory_space<vmem>>, vector<1x16xf32>,
      %get3A_246 = vector.shape_cast %get3A_245 : vector<1x16xf32> to vector<16xf32>
      %add3A_247 = arith.addf %add3A_238, %get3A_246 : vector<16xf32>
      %mul3A_248 = arith.constant 20 : i32
      %mul3A_249 = arith.muli %scan3A_107, %mul3A_248 : i32
      %add3A_250 = arith.constant 16 : i32
      %add3A_251 = arith.addi %mul3A_249, %add3A_250 : i32
      %get3A_252 = arith.index_cast %add3A_251 : i32 to index
      %get3A_253 = arith.constant 0 : index
      %get3A_254 = tpu.vector_load %arg6[%get3A_252, %get3A_253] {strides = array<i32>} : memref<640x128xf32, #tpu.memory_space<vmem>>, vector<1x16xf32>,
      %get3A_255 = vector.shape_cast %get3A_254 : vector<1x16xf32> to vector<16xf32>
      %add3A_256 = arith.addf %add3A_247, %get3A_255 : vector<16xf32>
      %mul3A_257 = arith.constant 20 : i32
      %mul3A_258 = arith.muli %scan3A_107, %mul3A_257 : i32
      %add3A_259 = arith.constant 17 : i32
      %add3A_260 = arith.addi %mul3A_258, %add3A_259 : i32
      %get3A_261 = arith.index_cast %add3A_260 : i32 to index
      %get3A_262 = arith.constant 0 : index
      %get3A_263 = tpu.vector_load %arg6[%get3A_261, %get3A_262] {strides = array<i32>} : memref<640x128xf32, #tpu.memory_space<vmem>>, vector<1x16xf32>,
      %get3A_264 = vector.shape_cast %get3A_263 : vector<1x16xf32> to vector<16xf32>
      %add3A_265 = arith.addf %add3A_256, %get3A_264 : vector<16xf32>
      %mul3A_266 = arith.constant 20 : i32
      %mul3A_267 = arith.muli %scan3A_107, %mul3A_266 : i32
      %add3A_268 = arith.constant 18 : i32
      %add3A_269 = arith.addi %mul3A_267, %add3A_268 : i32
      %get3A_270 = arith.index_cast %add3A_269 : i32 to index
      %get3A_271 = arith.constant 0 : index
      %get3A_272 = tpu.vector_load %arg6[%get3A_270, %get3A_271] {strides = array<i32>} : memref<640x128xf32, #tpu.memory_space<vmem>>, vector<1x16xf32>,
      %get3A_273 = vector.shape_cast %get3A_272 : vector<1x16xf32> to vector<16xf32>
      %add3A_274 = arith.addf %add3A_265, %get3A_273 : vector<16xf32>
      %mul3A_275 = arith.constant 20 : i32
      %mul3A_276 = arith.muli %scan3A_107, %mul3A_275 : i32
      %add3A_277 = arith.constant 19 : i32
      %add3A_278 = arith.addi %mul3A_276, %add3A_277 : i32
      %get3A_279 = arith.index_cast %add3A_278 : i32 to index
      %get3A_280 = arith.constant 0 : index
      %get3A_281 = tpu.vector_load %arg6[%get3A_279, %get3A_280] {strides = array<i32>} : memref<640x128xf32, #tpu.memory_space<vmem>>, vector<1x16xf32>,
      %get3A_282 = vector.shape_cast %get3A_281 : vector<1x16xf32> to vector<16xf32>
      %add3A_283 = arith.addf %add3A_274, %get3A_282 : vector<16xf32>
      %mul3A_284 = vector.broadcast %scan3A_99 : f32 to vector<16xf32>
      %mul3A_285 = arith.mulf %add3A_283, %mul3A_284 : vector<16xf32>
      %mul3A_286 = arith.constant 2.000000e+00 : f32
      %mul3A_287 = vector.broadcast %mul3A_286 : f32 to vector<16xf32>
      %mul3A_288 = arith.mulf %mul3A_287, %mul3A_285 : vector<16xf32>
      %exp3A = math.exp %mul3A_288 : vector<16xf32>
      %add3A_289 = arith.constant 1.000000e+00 : f32
      %add3A_290 = vector.broadcast %add3A_289 : f32 to vector<16xf32>
      %add3A_291 = arith.addf %exp3A, %add3A_290 : vector<16xf32>
      %div3A = arith.constant 2.000000e+00 : f32
      %div3A_292 = vector.broadcast %div3A : f32 to vector<16xf32>
      %div3A_293 = arith.divf %div3A_292, %add3A_291 : vector<16xf32>
      %sub3A = arith.constant 1.000000e+00 : f32
      %sub3A_294 = vector.broadcast %sub3A : f32 to vector<16xf32>
      %sub3A_295 = arith.subf %sub3A_294, %div3A_293 : vector<16xf32>
      %swap3A = arith.index_cast %scan3A_107 : i32 to index
      %swap3A_296 = arith.constant 0 : index
      %swap3A_297 = tpu.vector_load %arg7[%swap3A, %swap3A_296] {strides = array<i32>} : memref<32x64xf32, #tpu.memory_space<vmem>>, vector<1x16xf32>,
      %swap3A_298 = vector.shape_cast %swap3A_297 : vector<1x16xf32> to vector<16xf32>
      %swap3A_299 = vector.shape_cast %sub3A_295 : vector<16xf32> to vector<1x16xf32>
      tpu.vector_store %arg7[%swap3A, %swap3A_296], %swap3A_299 {strides = array<i32>} : memref<32x64xf32, #tpu.memory_space<vmem>>, vector<1x16xf32>,
      %mul3A_300 = arith.constant 20 : i32
      %mul3A_301 = arith.muli %scan3A_107, %mul3A_300 : i32
      %get3A_302 = arith.index_cast %mul3A_301 : i32 to index
      %get3A_303 = arith.constant 16 : index
      %get3A_304 = tpu.vector_load %arg6[%get3A_302, %get3A_303] {strides = array<i32>} : memref<640x128xf32, #tpu.memory_space<vmem>>, vector<1x16xf32>,
      %get3A_305 = vector.shape_cast %get3A_304 : vector<1x16xf32> to vector<16xf32>
      %mul3A_306 = arith.constant 20 : i32
      %mul3A_307 = arith.muli %scan3A_107, %mul3A_306 : i32
      %add3A_308 = arith.constant 1 : i32
      %add3A_309 = arith.addi %mul3A_307, %add3A_308 : i32
      %get3A_310 = arith.index_cast %add3A_309 : i32 to index
      %get3A_311 = arith.constant 16 : index
      %get3A_312 = tpu.vector_load %arg6[%get3A_310, %get3A_311] {strides = array<i32>} : memref<640x128xf32, #tpu.memory_space<vmem>>, vector<1x16xf32>,
      %get3A_313 = vector.shape_cast %get3A_312 : vector<1x16xf32> to vector<16xf32>
      %add3A_314 = arith.addf %get3A_305, %get3A_313 : vector<16xf32>
      %mul3A_315 = arith.constant 20 : i32
      %mul3A_316 = arith.muli %scan3A_107, %mul3A_315 : i32
      %add3A_317 = arith.constant 2 : i32
      %add3A_318 = arith.addi %mul3A_316, %add3A_317 : i32
      %get3A_319 = arith.index_cast %add3A_318 : i32 to index
      %get3A_320 = arith.constant 16 : index
      %get3A_321 = tpu.vector_load %arg6[%get3A_319, %get3A_320] {strides = array<i32>} : memref<640x128xf32, #tpu.memory_space<vmem>>, vector<1x16xf32>,
      %get3A_322 = vector.shape_cast %get3A_321 : vector<1x16xf32> to vector<16xf32>
      %add3A_323 = arith.addf %add3A_314, %get3A_322 : vector<16xf32>
      %mul3A_324 = arith.constant 20 : i32
      %mul3A_325 = arith.muli %scan3A_107, %mul3A_324 : i32
      %add3A_326 = arith.constant 3 : i32
      %add3A_327 = arith.addi %mul3A_325, %add3A_326 : i32
      %get3A_328 = arith.index_cast %add3A_327 : i32 to index
      %get3A_329 = arith.constant 16 : index
      %get3A_330 = tpu.vector_load %arg6[%get3A_328, %get3A_329] {strides = array<i32>} : memref<640x128xf32, #tpu.memory_space<vmem>>, vector<1x16xf32>,
      %get3A_331 = vector.shape_cast %get3A_330 : vector<1x16xf32> to vector<16xf32>
      %add3A_332 = arith.addf %add3A_323, %get3A_331 : vector<16xf32>
      %mul3A_333 = arith.constant 20 : i32
      %mul3A_334 = arith.muli %scan3A_107, %mul3A_333 : i32
      %add3A_335 = arith.constant 4 : i32
      %add3A_336 = arith.addi %mul3A_334, %add3A_335 : i32
      %get3A_337 = arith.index_cast %add3A_336 : i32 to index
      %get3A_338 = arith.constant 16 : index
      %get3A_339 = tpu.vector_load %arg6[%get3A_337, %get3A_338] {strides = array<i32>} : memref<640x128xf32, #tpu.memory_space<vmem>>, vector<1x16xf32>,
      %get3A_340 = vector.shape_cast %get3A_339 : vector<1x16xf32> to vector<16xf32>
      %add3A_341 = arith.addf %add3A_332, %get3A_340 : vector<16xf32>
      %mul3A_342 = arith.constant 20 : i32
      %mul3A_343 = arith.muli %scan3A_107, %mul3A_342 : i32
      %add3A_344 = arith.constant 5 : i32
      %add3A_345 = arith.addi %mul3A_343, %add3A_344 : i32
      %get3A_346 = arith.index_cast %add3A_345 : i32 to index
      %get3A_347 = arith.constant 16 : index
      %get3A_348 = tpu.vector_load %arg6[%get3A_346, %get3A_347] {strides = array<i32>} : memref<640x128xf32, #tpu.memory_space<vmem>>, vector<1x16xf32>,
      %get3A_349 = vector.shape_cast %get3A_348 : vector<1x16xf32> to vector<16xf32>
      %add3A_350 = arith.addf %add3A_341, %get3A_349 : vector<16xf32>
      %mul3A_351 = arith.constant 20 : i32
      %mul3A_352 = arith.muli %scan3A_107, %mul3A_351 : i32
      %add3A_353 = arith.constant 6 : i32
      %add3A_354 = arith.addi %mul3A_352, %add3A_353 : i32
      %get3A_355 = arith.index_cast %add3A_354 : i32 to index
      %get3A_356 = arith.constant 16 : index
      %get3A_357 = tpu.vector_load %arg6[%get3A_355, %get3A_356] {strides = array<i32>} : memref<640x128xf32, #tpu.memory_space<vmem>>, vector<1x16xf32>,
      %get3A_358 = vector.shape_cast %get3A_357 : vector<1x16xf32> to vector<16xf32>
      %add3A_359 = arith.addf %add3A_350, %get3A_358 : vector<16xf32>
      %mul3A_360 = arith.constant 20 : i32
      %mul3A_361 = arith.muli %scan3A_107, %mul3A_360 : i32
      %add3A_362 = arith.constant 7 : i32
      %add3A_363 = arith.addi %mul3A_361, %add3A_362 : i32
      %get3A_364 = arith.index_cast %add3A_363 : i32 to index
      %get3A_365 = arith.constant 16 : index
      %get3A_366 = tpu.vector_load %arg6[%get3A_364, %get3A_365] {strides = array<i32>} : memref<640x128xf32, #tpu.memory_space<vmem>>, vector<1x16xf32>,
      %get3A_367 = vector.shape_cast %get3A_366 : vector<1x16xf32> to vector<16xf32>
      %add3A_368 = arith.addf %add3A_359, %get3A_367 : vector<16xf32>
      %mul3A_369 = arith.constant 20 : i32
      %mul3A_370 = arith.muli %scan3A_107, %mul3A_369 : i32
      %add3A_371 = arith.constant 8 : i32
      %add3A_372 = arith.addi %mul3A_370, %add3A_371 : i32
      %get3A_373 = arith.index_cast %add3A_372 : i32 to index
      %get3A_374 = arith.constant 16 : index
      %get3A_375 = tpu.vector_load %arg6[%get3A_373, %get3A_374] {strides = array<i32>} : memref<640x128xf32, #tpu.memory_space<vmem>>, vector<1x16xf32>,
      %get3A_376 = vector.shape_cast %get3A_375 : vector<1x16xf32> to vector<16xf32>
      %add3A_377 = arith.addf %add3A_368, %get3A_376 : vector<16xf32>
      %mul3A_378 = arith.constant 20 : i32
      %mul3A_379 = arith.muli %scan3A_107, %mul3A_378 : i32
      %add3A_380 = arith.constant 9 : i32
      %add3A_381 = arith.addi %mul3A_379, %add3A_380 : i32
      %get3A_382 = arith.index_cast %add3A_381 : i32 to index
      %get3A_383 = arith.constant 16 : index
      %get3A_384 = tpu.vector_load %arg6[%get3A_382, %get3A_383] {strides = array<i32>} : memref<640x128xf32, #tpu.memory_space<vmem>>, vector<1x16xf32>,
      %get3A_385 = vector.shape_cast %get3A_384 : vector<1x16xf32> to vector<16xf32>
      %add3A_386 = arith.addf %add3A_377, %get3A_385 : vector<16xf32>
      %mul3A_387 = arith.constant 20 : i32
      %mul3A_388 = arith.muli %scan3A_107, %mul3A_387 : i32
      %add3A_389 = arith.constant 10 : i32
      %add3A_390 = arith.addi %mul3A_388, %add3A_389 : i32
      %get3A_391 = arith.index_cast %add3A_390 : i32 to index
      %get3A_392 = arith.constant 16 : index
      %get3A_393 = tpu.vector_load %arg6[%get3A_391, %get3A_392] {strides = array<i32>} : memref<640x128xf32, #tpu.memory_space<vmem>>, vector<1x16xf32>,
      %get3A_394 = vector.shape_cast %get3A_393 : vector<1x16xf32> to vector<16xf32>
      %add3A_395 = arith.addf %add3A_386, %get3A_394 : vector<16xf32>
      %mul3A_396 = arith.constant 20 : i32
      %mul3A_397 = arith.muli %scan3A_107, %mul3A_396 : i32
      %add3A_398 = arith.constant 11 : i32
      %add3A_399 = arith.addi %mul3A_397, %add3A_398 : i32
      %get3A_400 = arith.index_cast %add3A_399 : i32 to index
      %get3A_401 = arith.constant 16 : index
      %get3A_402 = tpu.vector_load %arg6[%get3A_400, %get3A_401] {strides = array<i32>} : memref<640x128xf32, #tpu.memory_space<vmem>>, vector<1x16xf32>,
      %get3A_403 = vector.shape_cast %get3A_402 : vector<1x16xf32> to vector<16xf32>
      %add3A_404 = arith.addf %add3A_395, %get3A_403 : vector<16xf32>
      %mul3A_405 = arith.constant 20 : i32
      %mul3A_406 = arith.muli %scan3A_107, %mul3A_405 : i32
      %add3A_407 = arith.constant 12 : i32
      %add3A_408 = arith.addi %mul3A_406, %add3A_407 : i32
      %get3A_409 = arith.index_cast %add3A_408 : i32 to index
      %get3A_410 = arith.constant 16 : index
      %get3A_411 = tpu.vector_load %arg6[%get3A_409, %get3A_410] {strides = array<i32>} : memref<640x128xf32, #tpu.memory_space<vmem>>, vector<1x16xf32>,
      %get3A_412 = vector.shape_cast %get3A_411 : vector<1x16xf32> to vector<16xf32>
      %add3A_413 = arith.addf %add3A_404, %get3A_412 : vector<16xf32>
      %mul3A_414 = arith.constant 20 : i32
      %mul3A_415 = arith.muli %scan3A_107, %mul3A_414 : i32
      %add3A_416 = arith.constant 13 : i32
      %add3A_417 = arith.addi %mul3A_415, %add3A_416 : i32
      %get3A_418 = arith.index_cast %add3A_417 : i32 to index
      %get3A_419 = arith.constant 16 : index
      %get3A_420 = tpu.vector_load %arg6[%get3A_418, %get3A_419] {strides = array<i32>} : memref<640x128xf32, #tpu.memory_space<vmem>>, vector<1x16xf32>,
      %get3A_421 = vector.shape_cast %get3A_420 : vector<1x16xf32> to vector<16xf32>
      %add3A_422 = arith.addf %add3A_413, %get3A_421 : vector<16xf32>
      %mul3A_423 = arith.constant 20 : i32
      %mul3A_424 = arith.muli %scan3A_107, %mul3A_423 : i32
      %add3A_425 = arith.constant 14 : i32
      %add3A_426 = arith.addi %mul3A_424, %add3A_425 : i32
      %get3A_427 = arith.index_cast %add3A_426 : i32 to index
      %get3A_428 = arith.constant 16 : index
      %get3A_429 = tpu.vector_load %arg6[%get3A_427, %get3A_428] {strides = array<i32>} : memref<640x128xf32, #tpu.memory_space<vmem>>, vector<1x16xf32>,
      %get3A_430 = vector.shape_cast %get3A_429 : vector<1x16xf32> to vector<16xf32>
      %add3A_431 = arith.addf %add3A_422, %get3A_430 : vector<16xf32>
      %mul3A_432 = arith.constant 20 : i32
      %mul3A_433 = arith.muli %scan3A_107, %mul3A_432 : i32
      %add3A_434 = arith.constant 15 : i32
      %add3A_435 = arith.addi %mul3A_433, %add3A_434 : i32
      %get3A_436 = arith.index_cast %add3A_435 : i32 to index
      %get3A_437 = arith.constant 16 : index
      %get3A_438 = tpu.vector_load %arg6[%get3A_436, %get3A_437] {strides = array<i32>} : memref<640x128xf32, #tpu.memory_space<vmem>>, vector<1x16xf32>,
      %get3A_439 = vector.shape_cast %get3A_438 : vector<1x16xf32> to vector<16xf32>
      %add3A_440 = arith.addf %add3A_431, %get3A_439 : vector<16xf32>
      %mul3A_441 = arith.constant 20 : i32
      %mul3A_442 = arith.muli %scan3A_107, %mul3A_441 : i32
      %add3A_443 = arith.constant 16 : i32
      %add3A_444 = arith.addi %mul3A_442, %add3A_443 : i32
      %get3A_445 = arith.index_cast %add3A_444 : i32 to index
      %get3A_446 = arith.constant 16 : index
      %get3A_447 = tpu.vector_load %arg6[%get3A_445, %get3A_446] {strides = array<i32>} : memref<640x128xf32, #tpu.memory_space<vmem>>, vector<1x16xf32>,
      %get3A_448 = vector.shape_cast %get3A_447 : vector<1x16xf32> to vector<16xf32>
      %add3A_449 = arith.addf %add3A_440, %get3A_448 : vector<16xf32>
      %mul3A_450 = arith.constant 20 : i32
      %mul3A_451 = arith.muli %scan3A_107, %mul3A_450 : i32
      %add3A_452 = arith.constant 17 : i32
      %add3A_453 = arith.addi %mul3A_451, %add3A_452 : i32
      %get3A_454 = arith.index_cast %add3A_453 : i32 to index
      %get3A_455 = arith.constant 16 : index
      %get3A_456 = tpu.vector_load %arg6[%get3A_454, %get3A_455] {strides = array<i32>} : memref<640x128xf32, #tpu.memory_space<vmem>>, vector<1x16xf32>,
      %get3A_457 = vector.shape_cast %get3A_456 : vector<1x16xf32> to vector<16xf32>
      %add3A_458 = arith.addf %add3A_449, %get3A_457 : vector<16xf32>
      %mul3A_459 = arith.constant 20 : i32
      %mul3A_460 = arith.muli %scan3A_107, %mul3A_459 : i32
      %add3A_461 = arith.constant 18 : i32
      %add3A_462 = arith.addi %mul3A_460, %add3A_461 : i32
      %get3A_463 = arith.index_cast %add3A_462 : i32 to index
      %get3A_464 = arith.constant 16 : index
      %get3A_465 = tpu.vector_load %arg6[%get3A_463, %get3A_464] {strides = array<i32>} : memref<640x128xf32, #tpu.memory_space<vmem>>, vector<1x16xf32>,
      %get3A_466 = vector.shape_cast %get3A_465 : vector<1x16xf32> to vector<16xf32>
      %add3A_467 = arith.addf %add3A_458, %get3A_466 : vector<16xf32>
      %mul3A_468 = arith.constant 20 : i32
      %mul3A_469 = arith.muli %scan3A_107, %mul3A_468 : i32
      %add3A_470 = arith.constant 19 : i32
      %add3A_471 = arith.addi %mul3A_469, %add3A_470 : i32
      %get3A_472 = arith.index_cast %add3A_471 : i32 to index
      %get3A_473 = arith.constant 16 : index
      %get3A_474 = tpu.vector_load %arg6[%get3A_472, %get3A_473] {strides = array<i32>} : memref<640x128xf32, #tpu.memory_space<vmem>>, vector<1x16xf32>,
      %get3A_475 = vector.shape_cast %get3A_474 : vector<1x16xf32> to vector<16xf32>
      %add3A_476 = arith.addf %add3A_467, %get3A_475 : vector<16xf32>
      %mul3A_477 = vector.broadcast %scan3A_99 : f32 to vector<16xf32>
      %mul3A_478 = arith.mulf %add3A_476, %mul3A_477 : vector<16xf32>
      %mul3A_479 = arith.constant 2.000000e+00 : f32
      %mul3A_480 = vector.broadcast %mul3A_479 : f32 to vector<16xf32>
      %mul3A_481 = arith.mulf %mul3A_480, %mul3A_478 : vector<16xf32>
      %exp3A_482 = math.exp %mul3A_481 : vector<16xf32>
      %add3A_483 = arith.constant 1.000000e+00 : f32
      %add3A_484 = vector.broadcast %add3A_483 : f32 to vector<16xf32>
      %add3A_485 = arith.addf %exp3A_482, %add3A_484 : vector<16xf32>
      %div3A_486 = arith.constant 2.000000e+00 : f32
      %div3A_487 = vector.broadcast %div3A_486 : f32 to vector<16xf32>
      %div3A_488 = arith.divf %div3A_487, %add3A_485 : vector<16xf32>
      %sub3A_489 = arith.constant 1.000000e+00 : f32
      %sub3A_490 = vector.broadcast %sub3A_489 : f32 to vector<16xf32>
      %sub3A_491 = arith.subf %sub3A_490, %div3A_488 : vector<16xf32>
      %swap3A_492 = arith.index_cast %scan3A_107 : i32 to index
      %swap3A_493 = arith.constant 16 : index
      %swap3A_494 = tpu.vector_load %arg7[%swap3A_492, %swap3A_493] {strides = array<i32>} : memref<32x64xf32, #tpu.memory_space<vmem>>, vector<1x16xf32>,
      %swap3A_495 = vector.shape_cast %swap3A_494 : vector<1x16xf32> to vector<16xf32>
      %swap3A_496 = vector.shape_cast %sub3A_491 : vector<16xf32> to vector<1x16xf32>
      tpu.vector_store %arg7[%swap3A_492, %swap3A_493], %swap3A_496 {strides = array<i32>} : memref<32x64xf32, #tpu.memory_space<vmem>>, vector<1x16xf32>,
      %mul3A_497 = arith.constant 20 : i32
      %mul3A_498 = arith.muli %scan3A_107, %mul3A_497 : i32
      %get3A_499 = arith.index_cast %mul3A_498 : i32 to index
      %get3A_500 = arith.constant 32 : index
      %get3A_501 = tpu.vector_load %arg6[%get3A_499, %get3A_500] {strides = array<i32>} : memref<640x128xf32, #tpu.memory_space<vmem>>, vector<1x16xf32>,
      %get3A_502 = vector.shape_cast %get3A_501 : vector<1x16xf32> to vector<16xf32>
      %mul3A_503 = arith.constant 20 : i32
      %mul3A_504 = arith.muli %scan3A_107, %mul3A_503 : i32
      %add3A_505 = arith.constant 1 : i32
      %add3A_506 = arith.addi %mul3A_504, %add3A_505 : i32
      %get3A_507 = arith.index_cast %add3A_506 : i32 to index
      %get3A_508 = arith.constant 32 : index
      %get3A_509 = tpu.vector_load %arg6[%get3A_507, %get3A_508] {strides = array<i32>} : memref<640x128xf32, #tpu.memory_space<vmem>>, vector<1x16xf32>,
      %get3A_510 = vector.shape_cast %get3A_509 : vector<1x16xf32> to vector<16xf32>
      %add3A_511 = arith.addf %get3A_502, %get3A_510 : vector<16xf32>
      %mul3A_512 = arith.constant 20 : i32
      %mul3A_513 = arith.muli %scan3A_107, %mul3A_512 : i32
      %add3A_514 = arith.constant 2 : i32
      %add3A_515 = arith.addi %mul3A_513, %add3A_514 : i32
      %get3A_516 = arith.index_cast %add3A_515 : i32 to index
      %get3A_517 = arith.constant 32 : index
      %get3A_518 = tpu.vector_load %arg6[%get3A_516, %get3A_517] {strides = array<i32>} : memref<640x128xf32, #tpu.memory_space<vmem>>, vector<1x16xf32>,
      %get3A_519 = vector.shape_cast %get3A_518 : vector<1x16xf32> to vector<16xf32>
      %add3A_520 = arith.addf %add3A_511, %get3A_519 : vector<16xf32>
      %mul3A_521 = arith.constant 20 : i32
      %mul3A_522 = arith.muli %scan3A_107, %mul3A_521 : i32
      %add3A_523 = arith.constant 3 : i32
      %add3A_524 = arith.addi %mul3A_522, %add3A_523 : i32
      %get3A_525 = arith.index_cast %add3A_524 : i32 to index
      %get3A_526 = arith.constant 32 : index
      %get3A_527 = tpu.vector_load %arg6[%get3A_525, %get3A_526] {strides = array<i32>} : memref<640x128xf32, #tpu.memory_space<vmem>>, vector<1x16xf32>,
      %get3A_528 = vector.shape_cast %get3A_527 : vector<1x16xf32> to vector<16xf32>
      %add3A_529 = arith.addf %add3A_520, %get3A_528 : vector<16xf32>
      %mul3A_530 = arith.constant 20 : i32
      %mul3A_531 = arith.muli %scan3A_107, %mul3A_530 : i32
      %add3A_532 = arith.constant 4 : i32
      %add3A_533 = arith.addi %mul3A_531, %add3A_532 : i32
      %get3A_534 = arith.index_cast %add3A_533 : i32 to index
      %get3A_535 = arith.constant 32 : index
      %get3A_536 = tpu.vector_load %arg6[%get3A_534, %get3A_535] {strides = array<i32>} : memref<640x128xf32, #tpu.memory_space<vmem>>, vector<1x16xf32>,
      %get3A_537 = vector.shape_cast %get3A_536 : vector<1x16xf32> to vector<16xf32>
      %add3A_538 = arith.addf %add3A_529, %get3A_537 : vector<16xf32>
      %mul3A_539 = arith.constant 20 : i32
      %mul3A_540 = arith.muli %scan3A_107, %mul3A_539 : i32
      %add3A_541 = arith.constant 5 : i32
      %add3A_542 = arith.addi %mul3A_540, %add3A_541 : i32
      %get3A_543 = arith.index_cast %add3A_542 : i32 to index
      %get3A_544 = arith.constant 32 : index
      %get3A_545 = tpu.vector_load %arg6[%get3A_543, %get3A_544] {strides = array<i32>} : memref<640x128xf32, #tpu.memory_space<vmem>>, vector<1x16xf32>,
      %get3A_546 = vector.shape_cast %get3A_545 : vector<1x16xf32> to vector<16xf32>
      %add3A_547 = arith.addf %add3A_538, %get3A_546 : vector<16xf32>
      %mul3A_548 = arith.constant 20 : i32
      %mul3A_549 = arith.muli %scan3A_107, %mul3A_548 : i32
      %add3A_550 = arith.constant 6 : i32
      %add3A_551 = arith.addi %mul3A_549, %add3A_550 : i32
      %get3A_552 = arith.index_cast %add3A_551 : i32 to index
      %get3A_553 = arith.constant 32 : index
      %get3A_554 = tpu.vector_load %arg6[%get3A_552, %get3A_553] {strides = array<i32>} : memref<640x128xf32, #tpu.memory_space<vmem>>, vector<1x16xf32>,
      %get3A_555 = vector.shape_cast %get3A_554 : vector<1x16xf32> to vector<16xf32>
      %add3A_556 = arith.addf %add3A_547, %get3A_555 : vector<16xf32>
      %mul3A_557 = arith.constant 20 : i32
      %mul3A_558 = arith.muli %scan3A_107, %mul3A_557 : i32
      %add3A_559 = arith.constant 7 : i32
      %add3A_560 = arith.addi %mul3A_558, %add3A_559 : i32
      %get3A_561 = arith.index_cast %add3A_560 : i32 to index
      %get3A_562 = arith.constant 32 : index
      %get3A_563 = tpu.vector_load %arg6[%get3A_561, %get3A_562] {strides = array<i32>} : memref<640x128xf32, #tpu.memory_space<vmem>>, vector<1x16xf32>,
      %get3A_564 = vector.shape_cast %get3A_563 : vector<1x16xf32> to vector<16xf32>
      %add3A_565 = arith.addf %add3A_556, %get3A_564 : vector<16xf32>
      %mul3A_566 = arith.constant 20 : i32
      %mul3A_567 = arith.muli %scan3A_107, %mul3A_566 : i32
      %add3A_568 = arith.constant 8 : i32
      %add3A_569 = arith.addi %mul3A_567, %add3A_568 : i32
      %get3A_570 = arith.index_cast %add3A_569 : i32 to index
      %get3A_571 = arith.constant 32 : index
      %get3A_572 = tpu.vector_load %arg6[%get3A_570, %get3A_571] {strides = array<i32>} : memref<640x128xf32, #tpu.memory_space<vmem>>, vector<1x16xf32>,
      %get3A_573 = vector.shape_cast %get3A_572 : vector<1x16xf32> to vector<16xf32>
      %add3A_574 = arith.addf %add3A_565, %get3A_573 : vector<16xf32>
      %mul3A_575 = arith.constant 20 : i32
      %mul3A_576 = arith.muli %scan3A_107, %mul3A_575 : i32
      %add3A_577 = arith.constant 9 : i32
      %add3A_578 = arith.addi %mul3A_576, %add3A_577 : i32
      %get3A_579 = arith.index_cast %add3A_578 : i32 to index
      %get3A_580 = arith.constant 32 : index
      %get3A_581 = tpu.vector_load %arg6[%get3A_579, %get3A_580] {strides = array<i32>} : memref<640x128xf32, #tpu.memory_space<vmem>>, vector<1x16xf32>,
      %get3A_582 = vector.shape_cast %get3A_581 : vector<1x16xf32> to vector<16xf32>
      %add3A_583 = arith.addf %add3A_574, %get3A_582 : vector<16xf32>
      %mul3A_584 = arith.constant 20 : i32
      %mul3A_585 = arith.muli %scan3A_107, %mul3A_584 : i32
      %add3A_586 = arith.constant 10 : i32
      %add3A_587 = arith.addi %mul3A_585, %add3A_586 : i32
      %get3A_588 = arith.index_cast %add3A_587 : i32 to index
      %get3A_589 = arith.constant 32 : index
      %get3A_590 = tpu.vector_load %arg6[%get3A_588, %get3A_589] {strides = array<i32>} : memref<640x128xf32, #tpu.memory_space<vmem>>, vector<1x16xf32>,
      %get3A_591 = vector.shape_cast %get3A_590 : vector<1x16xf32> to vector<16xf32>
      %add3A_592 = arith.addf %add3A_583, %get3A_591 : vector<16xf32>
      %mul3A_593 = arith.constant 20 : i32
      %mul3A_594 = arith.muli %scan3A_107, %mul3A_593 : i32
      %add3A_595 = arith.constant 11 : i32
      %add3A_596 = arith.addi %mul3A_594, %add3A_595 : i32
      %get3A_597 = arith.index_cast %add3A_596 : i32 to index
      %get3A_598 = arith.constant 32 : index
      %get3A_599 = tpu.vector_load %arg6[%get3A_597, %get3A_598] {strides = array<i32>} : memref<640x128xf32, #tpu.memory_space<vmem>>, vector<1x16xf32>,
      %get3A_600 = vector.shape_cast %get3A_599 : vector<1x16xf32> to vector<16xf32>
      %add3A_601 = arith.addf %add3A_592, %get3A_600 : vector<16xf32>
      %mul3A_602 = arith.constant 20 : i32
      %mul3A_603 = arith.muli %scan3A_107, %mul3A_602 : i32
      %add3A_604 = arith.constant 12 : i32
      %add3A_605 = arith.addi %mul3A_603, %add3A_604 : i32
      %get3A_606 = arith.index_cast %add3A_605 : i32 to index
      %get3A_607 = arith.constant 32 : index
      %get3A_608 = tpu.vector_load %arg6[%get3A_606, %get3A_607] {strides = array<i32>} : memref<640x128xf32, #tpu.memory_space<vmem>>, vector<1x16xf32>,
      %get3A_609 = vector.shape_cast %get3A_608 : vector<1x16xf32> to vector<16xf32>
      %add3A_610 = arith.addf %add3A_601, %get3A_609 : vector<16xf32>
      %mul3A_611 = arith.constant 20 : i32
      %mul3A_612 = arith.muli %scan3A_107, %mul3A_611 : i32
      %add3A_613 = arith.constant 13 : i32
      %add3A_614 = arith.addi %mul3A_612, %add3A_613 : i32
      %get3A_615 = arith.index_cast %add3A_614 : i32 to index
      %get3A_616 = arith.constant 32 : index
      %get3A_617 = tpu.vector_load %arg6[%get3A_615, %get3A_616] {strides = array<i32>} : memref<640x128xf32, #tpu.memory_space<vmem>>, vector<1x16xf32>,
      %get3A_618 = vector.shape_cast %get3A_617 : vector<1x16xf32> to vector<16xf32>
      %add3A_619 = arith.addf %add3A_610, %get3A_618 : vector<16xf32>
      %mul3A_620 = arith.constant 20 : i32
      %mul3A_621 = arith.muli %scan3A_107, %mul3A_620 : i32
      %add3A_622 = arith.constant 14 : i32
      %add3A_623 = arith.addi %mul3A_621, %add3A_622 : i32
      %get3A_624 = arith.index_cast %add3A_623 : i32 to index
      %get3A_625 = arith.constant 32 : index
      %get3A_626 = tpu.vector_load %arg6[%get3A_624, %get3A_625] {strides = array<i32>} : memref<640x128xf32, #tpu.memory_space<vmem>>, vector<1x16xf32>,
      %get3A_627 = vector.shape_cast %get3A_626 : vector<1x16xf32> to vector<16xf32>
      %add3A_628 = arith.addf %add3A_619, %get3A_627 : vector<16xf32>
      %mul3A_629 = arith.constant 20 : i32
      %mul3A_630 = arith.muli %scan3A_107, %mul3A_629 : i32
      %add3A_631 = arith.constant 15 : i32
      %add3A_632 = arith.addi %mul3A_630, %add3A_631 : i32
      %get3A_633 = arith.index_cast %add3A_632 : i32 to index
      %get3A_634 = arith.constant 32 : index
      %get3A_635 = tpu.vector_load %arg6[%get3A_633, %get3A_634] {strides = array<i32>} : memref<640x128xf32, #tpu.memory_space<vmem>>, vector<1x16xf32>,
      %get3A_636 = vector.shape_cast %get3A_635 : vector<1x16xf32> to vector<16xf32>
      %add3A_637 = arith.addf %add3A_628, %get3A_636 : vector<16xf32>
      %mul3A_638 = arith.constant 20 : i32
      %mul3A_639 = arith.muli %scan3A_107, %mul3A_638 : i32
      %add3A_640 = arith.constant 16 : i32
      %add3A_641 = arith.addi %mul3A_639, %add3A_640 : i32
      %get3A_642 = arith.index_cast %add3A_641 : i32 to index
      %get3A_643 = arith.constant 32 : index
      %get3A_644 = tpu.vector_load %arg6[%get3A_642, %get3A_643] {strides = array<i32>} : memref<640x128xf32, #tpu.memory_space<vmem>>, vector<1x16xf32>,
      %get3A_645 = vector.shape_cast %get3A_644 : vector<1x16xf32> to vector<16xf32>
      %add3A_646 = arith.addf %add3A_637, %get3A_645 : vector<16xf32>
      %mul3A_647 = arith.constant 20 : i32
      %mul3A_648 = arith.muli %scan3A_107, %mul3A_647 : i32
      %add3A_649 = arith.constant 17 : i32
      %add3A_650 = arith.addi %mul3A_648, %add3A_649 : i32
      %get3A_651 = arith.index_cast %add3A_650 : i32 to index
      %get3A_652 = arith.constant 32 : index
      %get3A_653 = tpu.vector_load %arg6[%get3A_651, %get3A_652] {strides = array<i32>} : memref<640x128xf32, #tpu.memory_space<vmem>>, vector<1x16xf32>,
      %get3A_654 = vector.shape_cast %get3A_653 : vector<1x16xf32> to vector<16xf32>
      %add3A_655 = arith.addf %add3A_646, %get3A_654 : vector<16xf32>
      %mul3A_656 = arith.constant 20 : i32
      %mul3A_657 = arith.muli %scan3A_107, %mul3A_656 : i32
      %add3A_658 = arith.constant 18 : i32
      %add3A_659 = arith.addi %mul3A_657, %add3A_658 : i32
      %get3A_660 = arith.index_cast %add3A_659 : i32 to index
      %get3A_661 = arith.constant 32 : index
      %get3A_662 = tpu.vector_load %arg6[%get3A_660, %get3A_661] {strides = array<i32>} : memref<640x128xf32, #tpu.memory_space<vmem>>, vector<1x16xf32>,
      %get3A_663 = vector.shape_cast %get3A_662 : vector<1x16xf32> to vector<16xf32>
      %add3A_664 = arith.addf %add3A_655, %get3A_663 : vector<16xf32>
      %mul3A_665 = arith.constant 20 : i32
      %mul3A_666 = arith.muli %scan3A_107, %mul3A_665 : i32
      %add3A_667 = arith.constant 19 : i32
      %add3A_668 = arith.addi %mul3A_666, %add3A_667 : i32
      %get3A_669 = arith.index_cast %add3A_668 : i32 to index
      %get3A_670 = arith.constant 32 : index
      %get3A_671 = tpu.vector_load %arg6[%get3A_669, %get3A_670] {strides = array<i32>} : memref<640x128xf32, #tpu.memory_space<vmem>>, vector<1x16xf32>,
      %get3A_672 = vector.shape_cast %get3A_671 : vector<1x16xf32> to vector<16xf32>
      %add3A_673 = arith.addf %add3A_664, %get3A_672 : vector<16xf32>
      %mul3A_674 = vector.broadcast %scan3A_99 : f32 to vector<16xf32>
      %mul3A_675 = arith.mulf %add3A_673, %mul3A_674 : vector<16xf32>
      %mul3A_676 = arith.constant 2.000000e+00 : f32
      %mul3A_677 = vector.broadcast %mul3A_676 : f32 to vector<16xf32>
      %mul3A_678 = arith.mulf %mul3A_677, %mul3A_675 : vector<16xf32>
      %exp3A_679 = math.exp %mul3A_678 : vector<16xf32>
      %add3A_680 = arith.constant 1.000000e+00 : f32
      %add3A_681 = vector.broadcast %add3A_680 : f32 to vector<16xf32>
      %add3A_682 = arith.addf %exp3A_679, %add3A_681 : vector<16xf32>
      %div3A_683 = arith.constant 2.000000e+00 : f32
      %div3A_684 = vector.broadcast %div3A_683 : f32 to vector<16xf32>
      %div3A_685 = arith.divf %div3A_684, %add3A_682 : vector<16xf32>
      %sub3A_686 = arith.constant 1.000000e+00 : f32
      %sub3A_687 = vector.broadcast %sub3A_686 : f32 to vector<16xf32>
      %sub3A_688 = arith.subf %sub3A_687, %div3A_685 : vector<16xf32>
      %swap3A_689 = arith.index_cast %scan3A_107 : i32 to index
      %swap3A_690 = arith.constant 32 : index
      %swap3A_691 = tpu.vector_load %arg7[%swap3A_689, %swap3A_690] {strides = array<i32>} : memref<32x64xf32, #tpu.memory_space<vmem>>, vector<1x16xf32>,
      %swap3A_692 = vector.shape_cast %swap3A_691 : vector<1x16xf32> to vector<16xf32>
      %swap3A_693 = vector.shape_cast %sub3A_688 : vector<16xf32> to vector<1x16xf32>
      tpu.vector_store %arg7[%swap3A_689, %swap3A_690], %swap3A_693 {strides = array<i32>} : memref<32x64xf32, #tpu.memory_space<vmem>>, vector<1x16xf32>,
      %mul3A_694 = arith.constant 20 : i32
      %mul3A_695 = arith.muli %scan3A_107, %mul3A_694 : i32
      %get3A_696 = arith.index_cast %mul3A_695 : i32 to index
      %get3A_697 = arith.constant 48 : index
      %get3A_698 = tpu.vector_load %arg6[%get3A_696, %get3A_697] {strides = array<i32>} : memref<640x128xf32, #tpu.memory_space<vmem>>, vector<1x16xf32>,
      %get3A_699 = vector.shape_cast %get3A_698 : vector<1x16xf32> to vector<16xf32>
      %mul3A_700 = arith.constant 20 : i32
      %mul3A_701 = arith.muli %scan3A_107, %mul3A_700 : i32
      %add3A_702 = arith.constant 1 : i32
      %add3A_703 = arith.addi %mul3A_701, %add3A_702 : i32
      %get3A_704 = arith.index_cast %add3A_703 : i32 to index
      %get3A_705 = arith.constant 48 : index
      %get3A_706 = tpu.vector_load %arg6[%get3A_704, %get3A_705] {strides = array<i32>} : memref<640x128xf32, #tpu.memory_space<vmem>>, vector<1x16xf32>,
      %get3A_707 = vector.shape_cast %get3A_706 : vector<1x16xf32> to vector<16xf32>
      %add3A_708 = arith.addf %get3A_699, %get3A_707 : vector<16xf32>
      %mul3A_709 = arith.constant 20 : i32
      %mul3A_710 = arith.muli %scan3A_107, %mul3A_709 : i32
      %add3A_711 = arith.constant 2 : i32
      %add3A_712 = arith.addi %mul3A_710, %add3A_711 : i32
      %get3A_713 = arith.index_cast %add3A_712 : i32 to index
      %get3A_714 = arith.constant 48 : index
      %get3A_715 = tpu.vector_load %arg6[%get3A_713, %get3A_714] {strides = array<i32>} : memref<640x128xf32, #tpu.memory_space<vmem>>, vector<1x16xf32>,
      %get3A_716 = vector.shape_cast %get3A_715 : vector<1x16xf32> to vector<16xf32>
      %add3A_717 = arith.addf %add3A_708, %get3A_716 : vector<16xf32>
      %mul3A_718 = arith.constant 20 : i32
      %mul3A_719 = arith.muli %scan3A_107, %mul3A_718 : i32
      %add3A_720 = arith.constant 3 : i32
      %add3A_721 = arith.addi %mul3A_719, %add3A_720 : i32
      %get3A_722 = arith.index_cast %add3A_721 : i32 to index
      %get3A_723 = arith.constant 48 : index
      %get3A_724 = tpu.vector_load %arg6[%get3A_722, %get3A_723] {strides = array<i32>} : memref<640x128xf32, #tpu.memory_space<vmem>>, vector<1x16xf32>,
      %get3A_725 = vector.shape_cast %get3A_724 : vector<1x16xf32> to vector<16xf32>
      %add3A_726 = arith.addf %add3A_717, %get3A_725 : vector<16xf32>
      %mul3A_727 = arith.constant 20 : i32
      %mul3A_728 = arith.muli %scan3A_107, %mul3A_727 : i32
      %add3A_729 = arith.constant 4 : i32
      %add3A_730 = arith.addi %mul3A_728, %add3A_729 : i32
      %get3A_731 = arith.index_cast %add3A_730 : i32 to index
      %get3A_732 = arith.constant 48 : index
      %get3A_733 = tpu.vector_load %arg6[%get3A_731, %get3A_732] {strides = array<i32>} : memref<640x128xf32, #tpu.memory_space<vmem>>, vector<1x16xf32>,
      %get3A_734 = vector.shape_cast %get3A_733 : vector<1x16xf32> to vector<16xf32>
      %add3A_735 = arith.addf %add3A_726, %get3A_734 : vector<16xf32>
      %mul3A_736 = arith.constant 20 : i32
      %mul3A_737 = arith.muli %scan3A_107, %mul3A_736 : i32
      %add3A_738 = arith.constant 5 : i32
      %add3A_739 = arith.addi %mul3A_737, %add3A_738 : i32
      %get3A_740 = arith.index_cast %add3A_739 : i32 to index
      %get3A_741 = arith.constant 48 : index
      %get3A_742 = tpu.vector_load %arg6[%get3A_740, %get3A_741] {strides = array<i32>} : memref<640x128xf32, #tpu.memory_space<vmem>>, vector<1x16xf32>,
      %get3A_743 = vector.shape_cast %get3A_742 : vector<1x16xf32> to vector<16xf32>
      %add3A_744 = arith.addf %add3A_735, %get3A_743 : vector<16xf32>
      %mul3A_745 = arith.constant 20 : i32
      %mul3A_746 = arith.muli %scan3A_107, %mul3A_745 : i32
      %add3A_747 = arith.constant 6 : i32
      %add3A_748 = arith.addi %mul3A_746, %add3A_747 : i32
      %get3A_749 = arith.index_cast %add3A_748 : i32 to index
      %get3A_750 = arith.constant 48 : index
      %get3A_751 = tpu.vector_load %arg6[%get3A_749, %get3A_750] {strides = array<i32>} : memref<640x128xf32, #tpu.memory_space<vmem>>, vector<1x16xf32>,
      %get3A_752 = vector.shape_cast %get3A_751 : vector<1x16xf32> to vector<16xf32>
      %add3A_753 = arith.addf %add3A_744, %get3A_752 : vector<16xf32>
      %mul3A_754 = arith.constant 20 : i32
      %mul3A_755 = arith.muli %scan3A_107, %mul3A_754 : i32
      %add3A_756 = arith.constant 7 : i32
      %add3A_757 = arith.addi %mul3A_755, %add3A_756 : i32
      %get3A_758 = arith.index_cast %add3A_757 : i32 to index
      %get3A_759 = arith.constant 48 : index
      %get3A_760 = tpu.vector_load %arg6[%get3A_758, %get3A_759] {strides = array<i32>} : memref<640x128xf32, #tpu.memory_space<vmem>>, vector<1x16xf32>,
      %get3A_761 = vector.shape_cast %get3A_760 : vector<1x16xf32> to vector<16xf32>
      %add3A_762 = arith.addf %add3A_753, %get3A_761 : vector<16xf32>
      %mul3A_763 = arith.constant 20 : i32
      %mul3A_764 = arith.muli %scan3A_107, %mul3A_763 : i32
      %add3A_765 = arith.constant 8 : i32
      %add3A_766 = arith.addi %mul3A_764, %add3A_765 : i32
      %get3A_767 = arith.index_cast %add3A_766 : i32 to index
      %get3A_768 = arith.constant 48 : index
      %get3A_769 = tpu.vector_load %arg6[%get3A_767, %get3A_768] {strides = array<i32>} : memref<640x128xf32, #tpu.memory_space<vmem>>, vector<1x16xf32>,
      %get3A_770 = vector.shape_cast %get3A_769 : vector<1x16xf32> to vector<16xf32>
      %add3A_771 = arith.addf %add3A_762, %get3A_770 : vector<16xf32>
      %mul3A_772 = arith.constant 20 : i32
      %mul3A_773 = arith.muli %scan3A_107, %mul3A_772 : i32
      %add3A_774 = arith.constant 9 : i32
      %add3A_775 = arith.addi %mul3A_773, %add3A_774 : i32
      %get3A_776 = arith.index_cast %add3A_775 : i32 to index
      %get3A_777 = arith.constant 48 : index
      %get3A_778 = tpu.vector_load %arg6[%get3A_776, %get3A_777] {strides = array<i32>} : memref<640x128xf32, #tpu.memory_space<vmem>>, vector<1x16xf32>,
      %get3A_779 = vector.shape_cast %get3A_778 : vector<1x16xf32> to vector<16xf32>
      %add3A_780 = arith.addf %add3A_771, %get3A_779 : vector<16xf32>
      %mul3A_781 = arith.constant 20 : i32
      %mul3A_782 = arith.muli %scan3A_107, %mul3A_781 : i32
      %add3A_783 = arith.constant 10 : i32
      %add3A_784 = arith.addi %mul3A_782, %add3A_783 : i32
      %get3A_785 = arith.index_cast %add3A_784 : i32 to index
      %get3A_786 = arith.constant 48 : index
      %get3A_787 = tpu.vector_load %arg6[%get3A_785, %get3A_786] {strides = array<i32>} : memref<640x128xf32, #tpu.memory_space<vmem>>, vector<1x16xf32>,
      %get3A_788 = vector.shape_cast %get3A_787 : vector<1x16xf32> to vector<16xf32>
      %add3A_789 = arith.addf %add3A_780, %get3A_788 : vector<16xf32>
      %mul3A_790 = arith.constant 20 : i32
      %mul3A_791 = arith.muli %scan3A_107, %mul3A_790 : i32
      %add3A_792 = arith.constant 11 : i32
      %add3A_793 = arith.addi %mul3A_791, %add3A_792 : i32
      %get3A_794 = arith.index_cast %add3A_793 : i32 to index
      %get3A_795 = arith.constant 48 : index
      %get3A_796 = tpu.vector_load %arg6[%get3A_794, %get3A_795] {strides = array<i32>} : memref<640x128xf32, #tpu.memory_space<vmem>>, vector<1x16xf32>,
      %get3A_797 = vector.shape_cast %get3A_796 : vector<1x16xf32> to vector<16xf32>
      %add3A_798 = arith.addf %add3A_789, %get3A_797 : vector<16xf32>
      %mul3A_799 = arith.constant 20 : i32
      %mul3A_800 = arith.muli %scan3A_107, %mul3A_799 : i32
      %add3A_801 = arith.constant 12 : i32
      %add3A_802 = arith.addi %mul3A_800, %add3A_801 : i32
      %get3A_803 = arith.index_cast %add3A_802 : i32 to index
      %get3A_804 = arith.constant 48 : index
      %get3A_805 = tpu.vector_load %arg6[%get3A_803, %get3A_804] {strides = array<i32>} : memref<640x128xf32, #tpu.memory_space<vmem>>, vector<1x16xf32>,
      %get3A_806 = vector.shape_cast %get3A_805 : vector<1x16xf32> to vector<16xf32>
      %add3A_807 = arith.addf %add3A_798, %get3A_806 : vector<16xf32>
      %mul3A_808 = arith.constant 20 : i32
      %mul3A_809 = arith.muli %scan3A_107, %mul3A_808 : i32
      %add3A_810 = arith.constant 13 : i32
      %add3A_811 = arith.addi %mul3A_809, %add3A_810 : i32
      %get3A_812 = arith.index_cast %add3A_811 : i32 to index
      %get3A_813 = arith.constant 48 : index
      %get3A_814 = tpu.vector_load %arg6[%get3A_812, %get3A_813] {strides = array<i32>} : memref<640x128xf32, #tpu.memory_space<vmem>>, vector<1x16xf32>,
      %get3A_815 = vector.shape_cast %get3A_814 : vector<1x16xf32> to vector<16xf32>
      %add3A_816 = arith.addf %add3A_807, %get3A_815 : vector<16xf32>
      %mul3A_817 = arith.constant 20 : i32
      %mul3A_818 = arith.muli %scan3A_107, %mul3A_817 : i32
      %add3A_819 = arith.constant 14 : i32
      %add3A_820 = arith.addi %mul3A_818, %add3A_819 : i32
      %get3A_821 = arith.index_cast %add3A_820 : i32 to index
      %get3A_822 = arith.constant 48 : index
      %get3A_823 = tpu.vector_load %arg6[%get3A_821, %get3A_822] {strides = array<i32>} : memref<640x128xf32, #tpu.memory_space<vmem>>, vector<1x16xf32>,
      %get3A_824 = vector.shape_cast %get3A_823 : vector<1x16xf32> to vector<16xf32>
      %add3A_825 = arith.addf %add3A_816, %get3A_824 : vector<16xf32>
      %mul3A_826 = arith.constant 20 : i32
      %mul3A_827 = arith.muli %scan3A_107, %mul3A_826 : i32
      %add3A_828 = arith.constant 15 : i32
      %add3A_829 = arith.addi %mul3A_827, %add3A_828 : i32
      %get3A_830 = arith.index_cast %add3A_829 : i32 to index
      %get3A_831 = arith.constant 48 : index
      %get3A_832 = tpu.vector_load %arg6[%get3A_830, %get3A_831] {strides = array<i32>} : memref<640x128xf32, #tpu.memory_space<vmem>>, vector<1x16xf32>,
      %get3A_833 = vector.shape_cast %get3A_832 : vector<1x16xf32> to vector<16xf32>
      %add3A_834 = arith.addf %add3A_825, %get3A_833 : vector<16xf32>
      %mul3A_835 = arith.constant 20 : i32
      %mul3A_836 = arith.muli %scan3A_107, %mul3A_835 : i32
      %add3A_837 = arith.constant 16 : i32
      %add3A_838 = arith.addi %mul3A_836, %add3A_837 : i32
      %get3A_839 = arith.index_cast %add3A_838 : i32 to index
      %get3A_840 = arith.constant 48 : index
      %get3A_841 = tpu.vector_load %arg6[%get3A_839, %get3A_840] {strides = array<i32>} : memref<640x128xf32, #tpu.memory_space<vmem>>, vector<1x16xf32>,
      %get3A_842 = vector.shape_cast %get3A_841 : vector<1x16xf32> to vector<16xf32>
      %add3A_843 = arith.addf %add3A_834, %get3A_842 : vector<16xf32>
      %mul3A_844 = arith.constant 20 : i32
      %mul3A_845 = arith.muli %scan3A_107, %mul3A_844 : i32
      %add3A_846 = arith.constant 17 : i32
      %add3A_847 = arith.addi %mul3A_845, %add3A_846 : i32
      %get3A_848 = arith.index_cast %add3A_847 : i32 to index
      %get3A_849 = arith.constant 48 : index
      %get3A_850 = tpu.vector_load %arg6[%get3A_848, %get3A_849] {strides = array<i32>} : memref<640x128xf32, #tpu.memory_space<vmem>>, vector<1x16xf32>,
      %get3A_851 = vector.shape_cast %get3A_850 : vector<1x16xf32> to vector<16xf32>
      %add3A_852 = arith.addf %add3A_843, %get3A_851 : vector<16xf32>
      %mul3A_853 = arith.constant 20 : i32
      %mul3A_854 = arith.muli %scan3A_107, %mul3A_853 : i32
      %add3A_855 = arith.constant 18 : i32
      %add3A_856 = arith.addi %mul3A_854, %add3A_855 : i32
      %get3A_857 = arith.index_cast %add3A_856 : i32 to index
      %get3A_858 = arith.constant 48 : index
      %get3A_859 = tpu.vector_load %arg6[%get3A_857, %get3A_858] {strides = array<i32>} : memref<640x128xf32, #tpu.memory_space<vmem>>, vector<1x16xf32>,
      %get3A_860 = vector.shape_cast %get3A_859 : vector<1x16xf32> to vector<16xf32>
      %add3A_861 = arith.addf %add3A_852, %get3A_860 : vector<16xf32>
      %mul3A_862 = arith.constant 20 : i32
      %mul3A_863 = arith.muli %scan3A_107, %mul3A_862 : i32
      %add3A_864 = arith.constant 19 : i32
      %add3A_865 = arith.addi %mul3A_863, %add3A_864 : i32
      %get3A_866 = arith.index_cast %add3A_865 : i32 to index
      %get3A_867 = arith.constant 48 : index
      %get3A_868 = tpu.vector_load %arg6[%get3A_866, %get3A_867] {strides = array<i32>} : memref<640x128xf32, #tpu.memory_space<vmem>>, vector<1x16xf32>,
      %get3A_869 = vector.shape_cast %get3A_868 : vector<1x16xf32> to vector<16xf32>
      %add3A_870 = arith.addf %add3A_861, %get3A_869 : vector<16xf32>
      %mul3A_871 = vector.broadcast %scan3A_99 : f32 to vector<16xf32>
      %mul3A_872 = arith.mulf %add3A_870, %mul3A_871 : vector<16xf32>
      %mul3A_873 = arith.constant 2.000000e+00 : f32
      %mul3A_874 = vector.broadcast %mul3A_873 : f32 to vector<16xf32>
      %mul3A_875 = arith.mulf %mul3A_874, %mul3A_872 : vector<16xf32>
      %exp3A_876 = math.exp %mul3A_875 : vector<16xf32>
      %add3A_877 = arith.constant 1.000000e+00 : f32
      %add3A_878 = vector.broadcast %add3A_877 : f32 to vector<16xf32>
      %add3A_879 = arith.addf %exp3A_876, %add3A_878 : vector<16xf32>
      %div3A_880 = arith.constant 2.000000e+00 : f32
      %div3A_881 = vector.broadcast %div3A_880 : f32 to vector<16xf32>
      %div3A_882 = arith.divf %div3A_881, %add3A_879 : vector<16xf32>
      %sub3A_883 = arith.constant 1.000000e+00 : f32
      %sub3A_884 = vector.broadcast %sub3A_883 : f32 to vector<16xf32>
      %sub3A_885 = arith.subf %sub3A_884, %div3A_882 : vector<16xf32>
      %swap3A_886 = arith.index_cast %scan3A_107 : i32 to index
      %swap3A_887 = arith.constant 48 : index
      %swap3A_888 = tpu.vector_load %arg7[%swap3A_886, %swap3A_887] {strides = array<i32>} : memref<32x64xf32, #tpu.memory_space<vmem>>, vector<1x16xf32>,
      %swap3A_889 = vector.shape_cast %swap3A_888 : vector<1x16xf32> to vector<16xf32>
      %swap3A_890 = vector.shape_cast %sub3A_885 : vector<16xf32> to vector<1x16xf32>
      tpu.vector_store %arg7[%swap3A_886, %swap3A_887], %swap3A_890 {strides = array<i32>} : memref<32x64xf32, #tpu.memory_space<vmem>>, vector<1x16xf32>,
    }
    %scan3A_104 = arith.constant 32 : i32
    %mul3A_105 = arith.constant 32 : i32
    %mul3A_106 = arith.muli %add3A, %mul3A_105 : i32
    "tpu.region"() ({
      %run_scoped3A = tpu.sem_alloc : memref<!tpu.dma_semaphore, #tpu.memory_space<semaphore_mem>>
      %dma_start3A_107 = arith.constant 0 : i32
      %dma_start3A_108 = tpu.memref_slice %arg4[%mul3A_106, %dma_start3A_107] : memref<1024x64xf32, #tpu.memory_space<hbm>> -> memref<32x64xf32, #tpu.memory_space<hbm>>
      %dma_start3A_109 = arith.constant 0 : i32
      %dma_start3A_110 = tpu.memref_slice %arg4[%mul3A_106, %dma_start3A_109] : memref<1024x64xf32, #tpu.memory_space<hbm>> -> memref<32x64xf32, #tpu.memory_space<hbm>>
      tpu.enqueue_dma source(%arg7 : memref<32x64xf32, #tpu.memory_space<vmem>>) target(%dma_start3A_110 : memref<32x64xf32, #tpu.memory_space<hbm>>) target_semaphore(%run_scoped3A : memref<!tpu.dma_semaphore, #tpu.memory_space<semaphore_mem>>)
      %dma_wait3A_111 = arith.constant 0 : i32
      %dma_wait3A_112 = tpu.memref_slice %arg4[%mul3A_106, %dma_wait3A_111] : memref<1024x64xf32, #tpu.memory_space<hbm>> -> memref<32x64xf32, #tpu.memory_space<hbm>>
      %dma_wait3A_113 = arith.constant 0 : i32
      %dma_wait3A_114 = tpu.memref_slice %arg4[%mul3A_106, %dma_wait3A_113] : memref<1024x64xf32, #tpu.memory_space<hbm>> -> memref<32x64xf32, #tpu.memory_space<hbm>>
      tpu.wait_dma2 semaphore(%run_scoped3A : memref<!tpu.dma_semaphore, #tpu.memory_space<semaphore_mem>>) src(%arg7 : memref<32x64xf32, #tpu.memory_space<vmem>>) dst(%dma_wait3A_114 : memref<32x64xf32, #tpu.memory_space<hbm>>)
      tpu.yield
    }) : () -> ()
    return
  }
}

module attributes {stable_mosaic.version = 14 : i64} {
  func.func @_entity_tile(%arg0: i32, %arg1: memref<26x4096xf32, #tpu.memory_space<vmem>>, %arg2: memref<1664x26xbf16, #tpu.memory_space<vmem>>, %arg3: memref<1664x1xbf16, #tpu.memory_space<vmem>>, %arg4: memref<1664x1xbf16, #tpu.memory_space<vmem>>, %arg5: memref<26x64xf32, #tpu.memory_space<vmem>>, %arg6: memref<26x64xf32, #tpu.memory_space<vmem>>, %arg7: memref<64x64xf32, #tpu.memory_space<vmem>>, %arg8: memref<64x16xf32, #tpu.memory_space<vmem>>, %arg9: memref<64x4096xf32, #tpu.memory_space<vmem>>, %arg10: memref<4096x128xf32, #tpu.memory_space<vmem>>) attributes {dimension_semantics = [#tpu.dimension_semantics<arbitrary>], iteration_bounds = array<i64: 5>, scalar_prefetch = 0 : i64, scratch_operands = 0 : i64, tpu.core_type = #tpu.core_type<tc>, window_params = [{transform_indices = @transform_0, window_bounds = array<i64: 26, 4096>}, {pipeline_mode = #tpu.pipeline_mode<synchronous>, transform_indices = @transform_1, window_bounds = array<i64: 1664, 26>}, {pipeline_mode = #tpu.pipeline_mode<synchronous>, transform_indices = @transform_2, window_bounds = array<i64: 1664, 1>}, {pipeline_mode = #tpu.pipeline_mode<synchronous>, transform_indices = @transform_3, window_bounds = array<i64: 1664, 1>}, {pipeline_mode = #tpu.pipeline_mode<synchronous>, transform_indices = @transform_4, window_bounds = array<i64: 26, 64>}, {pipeline_mode = #tpu.pipeline_mode<synchronous>, transform_indices = @transform_5, window_bounds = array<i64: 26, 64>}, {pipeline_mode = #tpu.pipeline_mode<synchronous>, transform_indices = @transform_6, window_bounds = array<i64: 64, 64>}, {pipeline_mode = #tpu.pipeline_mode<synchronous>, transform_indices = @transform_7, window_bounds = array<i64: 64, 16>}, {transform_indices = @transform_8, window_bounds = array<i64: 64, 4096>}, {transform_indices = @transform_9, window_bounds = array<i64: 4096, 128>}]} {
    %get3A = arith.constant 0 : index
    %get3A_0 = arith.constant 0 : index
    %get3A_1 = vector.load %arg1[%get3A, %get3A_0] : memref<26x4096xf32, #tpu.memory_space<vmem>>, vector<26x4096xf32>
    %convert_element_type3A = arith.truncf %get3A_1 : vector<26x4096xf32> to vector<26x4096xbf16>
    %broadcast_in_dim3A = vector.shape_cast %convert_element_type3A : vector<26x4096xbf16> to vector<26x1x4096xbf16>
    %broadcast_in_dim3A_2 = vector.shape_cast %broadcast_in_dim3A : vector<26x1x4096xbf16> to vector<26x1x4096xbf16>
    %broadcast_in_dim3A_3 = vector.broadcast %broadcast_in_dim3A_2 : vector<26x1x4096xbf16> to vector<26x64x4096xbf16>
    %reshape3A = vector.shape_cast %broadcast_in_dim3A_3 : vector<26x64x4096xbf16> to vector<1664x4096xbf16>
    %get3A_4 = arith.constant 0 : index
    %get3A_5 = arith.constant 0 : index
    %get3A_6 = vector.load %arg3[%get3A_4, %get3A_5] : memref<1664x1xbf16, #tpu.memory_space<vmem>>, vector<1664x1xbf16>
    %mul3A = vector.broadcast %get3A_6 : vector<1664x1xbf16> to vector<1664x4096xbf16>
    %mul3A_7 = arith.mulf %reshape3A, %mul3A : vector<1664x4096xbf16>
    %get3A_8 = arith.constant 0 : index
    %get3A_9 = arith.constant 0 : index
    %get3A_10 = vector.load %arg4[%get3A_8, %get3A_9] : memref<1664x1xbf16, #tpu.memory_space<vmem>>, vector<1664x1xbf16>
    %add3A = vector.broadcast %get3A_10 : vector<1664x1xbf16> to vector<1664x4096xbf16>
    %add3A_11 = arith.addf %mul3A_7, %add3A : vector<1664x4096xbf16>
    %tanh3A = math.tanh %add3A_11 : vector<1664x4096xbf16>
    %get3A_12 = arith.constant 0 : index
    %get3A_13 = arith.constant 0 : index
    %get3A_14 = vector.load %arg2[%get3A_12, %get3A_13] : memref<1664x26xbf16, #tpu.memory_space<vmem>>, vector<1664x26xbf16>
    %dot_general3A = arith.constant dense<0.000000e+00> : vector<26x4096xf32>
    %dot_general3A_15 = tpu.matmul %get3A_14, %tanh3A, %dot_general3A {dimension_numbers = #tpu.dot_dimension_numbers<[0], [0], [1], [1], [0, 1, 1, 1], [], []>, transpose_lhs_hint = false} : vector<1664x26xbf16>, vector<1664x4096xbf16>, vector<26x4096xf32> -> vector<26x4096xf32>
    %reduce_max3A = arith.constant dense<0xFF800000> : vector<4096xf32>
    %reduce_max3A_16 = vector.multi_reduction <maximumf>, %dot_general3A_15, %reduce_max3A [0] : vector<26x4096xf32> to vector<4096xf32>
    %broadcast_in_dim3A_17 = vector.shape_cast %reduce_max3A_16 : vector<4096xf32> to vector<1x4096xf32>
    %sub3A = vector.broadcast %broadcast_in_dim3A_17 : vector<1x4096xf32> to vector<26x4096xf32>
    %sub3A_18 = arith.subf %dot_general3A_15, %sub3A : vector<26x4096xf32>
    %exp3A = math.exp %sub3A_18 : vector<26x4096xf32>
    %reduce_sum3A = arith.constant dense<0.000000e+00> : vector<4096xf32>
    %reduce_sum3A_19 = vector.multi_reduction <add>, %exp3A, %reduce_sum3A [0] : vector<26x4096xf32> to vector<4096xf32>
    %broadcast_in_dim3A_20 = vector.shape_cast %reduce_sum3A_19 : vector<4096xf32> to vector<1x4096xf32>
    %div3A = vector.broadcast %broadcast_in_dim3A_20 : vector<1x4096xf32> to vector<26x4096xf32>
    %div3A_21 = arith.divf %exp3A, %div3A : vector<26x4096xf32>
    %get3A_22 = arith.constant 0 : index
    %get3A_23 = arith.constant 0 : index
    %get3A_24 = vector.load %arg5[%get3A_22, %get3A_23] : memref<26x64xf32, #tpu.memory_space<vmem>>, vector<26x64xf32>
    %mul3A_25 = arith.mulf %div3A_21, %get3A_1 : vector<26x4096xf32>
    %dot_general3A_26 = arith.constant dense<0.000000e+00> : vector<64x4096xf32>
    %dot_general3A_27 = tpu.matmul %get3A_24, %mul3A_25, %dot_general3A_26 {dimension_numbers = #tpu.dot_dimension_numbers<[0], [0], [1], [1], [0, 1, 1, 1], [], []>, transpose_lhs_hint = false} : vector<26x64xf32>, vector<26x4096xf32>, vector<64x4096xf32> -> vector<64x4096xf32>
    %get3A_28 = arith.constant 0 : index
    %get3A_29 = arith.constant 0 : index
    %get3A_30 = vector.load %arg6[%get3A_28, %get3A_29] : memref<26x64xf32, #tpu.memory_space<vmem>>, vector<26x64xf32>
    %dot_general3A_31 = arith.constant dense<0.000000e+00> : vector<64x4096xf32>
    %dot_general3A_32 = tpu.matmul %get3A_30, %div3A_21, %dot_general3A_31 {dimension_numbers = #tpu.dot_dimension_numbers<[0], [0], [1], [1], [0, 1, 1, 1], [], []>, transpose_lhs_hint = false} : vector<26x64xf32>, vector<26x4096xf32>, vector<64x4096xf32> -> vector<64x4096xf32>
    %add3A_33 = arith.addf %dot_general3A_27, %dot_general3A_32 : vector<64x4096xf32>
    %swap3A = arith.constant 0 : index
    %swap3A_34 = arith.constant 0 : index
    %swap3A_35 = vector.load %arg9[%swap3A, %swap3A_34] : memref<64x4096xf32, #tpu.memory_space<vmem>>, vector<64x4096xf32>
    tpu.vector_store %arg9[%swap3A, %swap3A_34], %add3A_33 {strides = array<i32>} : memref<64x4096xf32, #tpu.memory_space<vmem>>, vector<64x4096xf32>,
    %get3A_36 = arith.constant 0 : index
    %get3A_37 = arith.constant 0 : index
    %get3A_38 = vector.load %arg7[%get3A_36, %get3A_37] : memref<64x64xf32, #tpu.memory_space<vmem>>, vector<64x64xf32>
    %dot_general3A_39 = arith.constant dense<0.000000e+00> : vector<4096x64xf32>
    %dot_general3A_40 = tpu.matmul %add3A_33, %get3A_38, %dot_general3A_39 {dimension_numbers = #tpu.dot_dimension_numbers<[0], [0], [1], [1], [0, 1, 1, 1], [], []>, transpose_lhs_hint = false} : vector<64x4096xf32>, vector<64x64xf32>, vector<4096x64xf32> -> vector<4096x64xf32>
    %broadcast_in_dim3A_41 = arith.constant 0.000000e+00 : f32
    %broadcast_in_dim3A_42 = vector.broadcast %broadcast_in_dim3A_41 : f32 to vector<4096x64xf32>
    %concatenate3A = tpu.concatenate %dot_general3A_40, %broadcast_in_dim3A_42 in 1 : vector<4096x64xf32>, vector<4096x64xf32> -> vector<4096x128xf32>
    %swap3A_43 = arith.constant 0 : index
    %swap3A_44 = arith.constant 0 : index
    %swap3A_45 = vector.load %arg10[%swap3A_43, %swap3A_44] : memref<4096x128xf32, #tpu.memory_space<vmem>>, vector<4096x128xf32>
    tpu.vector_store %arg10[%swap3A_43, %swap3A_44], %concatenate3A {strides = array<i32>} : memref<4096x128xf32, #tpu.memory_space<vmem>>, vector<4096x128xf32>,
    %eq3A = arith.constant 4 : i32
    %eq3A_46 = arith.cmpi eq, %arg0, %eq3A : i32
    %convert_element_type3A_47 = arith.extui %eq3A_46 : i1 to i32
    %cond3A = arith.constant 0 : i32
    %cond3A_48 = arith.cmpi ne, %convert_element_type3A_47, %cond3A : i32
    scf.if %cond3A_48 {
      %get3A_49 = arith.constant 0 : index
      %get3A_50 = arith.constant 0 : index
      %get3A_51 = vector.load %arg8[%get3A_49, %get3A_50] : memref<64x16xf32, #tpu.memory_space<vmem>>, vector<64x16xf32>
      %swap3A_52 = arith.constant 0 : index
      %swap3A_53 = arith.constant 0 : index
      %swap3A_54 = vector.load %arg9[%swap3A_52, %swap3A_53] : memref<64x4096xf32, #tpu.memory_space<vmem>>, vector<64x16xf32>
      tpu.vector_store %arg9[%swap3A_52, %swap3A_53], %get3A_51 {strides = array<i32>} : memref<64x4096xf32, #tpu.memory_space<vmem>>, vector<64x16xf32>,
    } else {
    }
    return
  }
  func.func @transform_0(%arg0: i32) -> (i32, i32) {
    %min3A = arith.constant 3 : i32
    %min3A_0 = arith.minsi %arg0, %min3A : i32
    %c0_i32 = arith.constant 0 : i32
    %c0_i32_1 = arith.constant 0 : i32
    return %c0_i32, %min3A_0 : i32, i32
  }
  func.func @transform_1(%arg0: i32) -> (i32, i32) {
    %c0_i32 = arith.constant 0 : i32
    %c0_i32_0 = arith.constant 0 : i32
    %c0_i32_1 = arith.constant 0 : i32
    return %c0_i32, %c0_i32_0 : i32, i32
  }
  func.func @transform_2(%arg0: i32) -> (i32, i32) {
    %c0_i32 = arith.constant 0 : i32
    %c0_i32_0 = arith.constant 0 : i32
    %c0_i32_1 = arith.constant 0 : i32
    return %c0_i32, %c0_i32_0 : i32, i32
  }
  func.func @transform_3(%arg0: i32) -> (i32, i32) {
    %c0_i32 = arith.constant 0 : i32
    %c0_i32_0 = arith.constant 0 : i32
    %c0_i32_1 = arith.constant 0 : i32
    return %c0_i32, %c0_i32_0 : i32, i32
  }
  func.func @transform_4(%arg0: i32) -> (i32, i32) {
    %c0_i32 = arith.constant 0 : i32
    %c0_i32_0 = arith.constant 0 : i32
    %c0_i32_1 = arith.constant 0 : i32
    return %c0_i32, %c0_i32_0 : i32, i32
  }
  func.func @transform_5(%arg0: i32) -> (i32, i32) {
    %c0_i32 = arith.constant 0 : i32
    %c0_i32_0 = arith.constant 0 : i32
    %c0_i32_1 = arith.constant 0 : i32
    return %c0_i32, %c0_i32_0 : i32, i32
  }
  func.func @transform_6(%arg0: i32) -> (i32, i32) {
    %c0_i32 = arith.constant 0 : i32
    %c0_i32_0 = arith.constant 0 : i32
    %c0_i32_1 = arith.constant 0 : i32
    return %c0_i32, %c0_i32_0 : i32, i32
  }
  func.func @transform_7(%arg0: i32) -> (i32, i32) {
    %c0_i32 = arith.constant 0 : i32
    %c0_i32_0 = arith.constant 0 : i32
    %c0_i32_1 = arith.constant 0 : i32
    return %c0_i32, %c0_i32_0 : i32, i32
  }
  func.func @transform_8(%arg0: i32) -> (i32, i32) {
    %c0_i32 = arith.constant 0 : i32
    %c0_i32_0 = arith.constant 0 : i32
    return %c0_i32, %arg0 : i32, i32
  }
  func.func @transform_9(%arg0: i32) -> (i32, i32) {
    %min3A = arith.constant 3 : i32
    %min3A_0 = arith.minsi %arg0, %min3A : i32
    %c0_i32 = arith.constant 0 : i32
    %c0_i32_1 = arith.constant 0 : i32
    return %min3A_0, %c0_i32 : i32, i32
  }
}

</mosaic_0001>

<sc_bundles>
// kernel: kernel.4.cloned.1.call-start
scs
__scs_entry_jumppad:
0x0: {  	(pc) =	sbr.rel $0x88, $3  }
0x1: {  	(tag) =	ssettag $0x0;
	lr =	simm.s32 $0x1  }
0x2: {  	[smem:$0x3F9A] =	sst lr;
	_ =	strace $0xD0000000  }
0x3: {  	_ = 	snop  }
0x4: {  	_ = 	snop  }
0x5: {  	_ = 	snop  }
0x6: {  	_ = 	snop  }
0x7: {  	_ = 	snop  }
__scs_overlays_trampoline_lowered:
0x8: {  	[smem:$0x3FA9] =	sst s0  }
0x9: {  	[smem:$0x3FAA] =	sst s1  }
0xa: {  	[smem:$0x3FAB] =	sst s2  }
0xb: {  	[smem:$0x3FAC] =	sst s3  }
0xc: {  	[smem:$0x3FAD] =	sst s4  }
0xd: {  	[smem:$0x3FAE] =	sst s5  }
0xe: {  	[smem:$0x3FAF] =	sst s6  }
0xf: {  	[smem:$0x3FB0] =	sst s7  }
0x10: {  	[smem:$0x3FB1] =	sst s8  }
0x11: {  	[smem:$0x3FB2] =	sst s9;
	s0 =	simm.s32 @!p0 $0x0  }
0x12: {  	s1 =	sld [smem:$0x3F98];
	s0 =	simm.s32 @p0 $0x1  }
0x13: {  	[smem:$0x3FB3] =	sst s0;
	s0 =	simm.s32 @!p1 $0x0  }
0x14: {  	s2 =	sld [smem:$0x3F97];
	s0 =	simm.s32 @p1 $0x1  }
0x15: {  	[smem:$0x3FB4] =	sst s0;
	s0 =	simm.s32 @!p2 $0x0  }
0x16: {  	s3 =	sld [smem:$0x3FDB];
	s0 =	simm.s32 @p2 $0x1  }
0x17: {  	s4 =	simm.s32 $0x1BF5;
	[smem:$0x3FB6] =	sst s0  }
0x18: {  	s0 =	sld [smem:$0x3F99];
	_ =	swait.ge [sflag:s4], $0x0  }
0x19: {  	s7 =	sld [smem:$0x3F9A]  }
0x1a: {  	s8 =	sadd.s32 $0xFFFFE003, lr  }
0x1b: {  	s9 =	sadd.s32 $0xFFFFFEF7, lr;
	s5 =	simm.s32 $0xFFFFFFFF;
	p2 =	slt.u32 s8, $0xFFFFF086  }
0x1c: {  	p1 =	slt.u32 s9, $0xF7A;
	s5 =	simm.s32 @!p2 $0x0  }
0x1d: {  	s5 =	simm.s32 @p1 $0x1;
	p0 =	seq.s32 s7, s2  }
0x1e: {  	s7 =	smul.u32 @!p0 $0xF7A, s2;
	p2 =	seq.s32 @!p0 s5, $0x0  }
0x1f: {  	s9 =	smul.u32 $0xF7A, s1;
	s8 =	simm.s32 @!p0 $0x1BF5;
	p2 =	por !p2, p0  }
0x20: {  	[sflag:s8] =	ssyncset.s32 @!p0 $0xFFFFF086;
	s6 =	sadd.s32 @!p0 s3, s7;
	s7 =	simm.s32 @!p0 $0x108  }
0x21: {  	s3 =	sadd.s32 s3, s9;
	s6 =	sadd.s32 @!p0 $0x88, s6;
	s7 =	simm.s32 @p2 $0x1082  }
0x22: {  	[simem:s7], [sflag:s8] =	dma.local @!p0 [hbm:s6], $0xF7A  }
0x23: {  	s9 =	sor.u32 $0xD0000000, s2;
	s6 =	simm.s32 $0x108;
	_ =	swait.ge @!p0 [sflag:s8], $0x0  }
0x24: {  	s3 =	sadd.s32 $0x88, s3;
	s6 =	simm.s32 @!p1 $0x1082;
	[sflag:s4] =	ssyncset.s32 $0xFFFFF086  }
0x25: {  	[simem:s6], [sflag:s4] =	dma.local [hbm:s3], $0xF7A  }
0x26: {  	[smem:$0x3F9A] =	sst s1;
	(tag) =	ssettag s2;
	_ =	strace s9  }
0x27: {  	s1 =	sld [smem:$0x3FAA]  }
0x28: {  	s2 =	sld [smem:$0x3FAB]  }
0x29: {  	s4 =	sld [smem:$0x3FAD]  }
0x2a: {  	p0 =	seq.s32 s5, $0x0;
	s5 =	sld [smem:$0x3FAE]  }
0x2b: {  	s6 =	sld [smem:$0x3FAF]  }
0x2c: {  	s7 =	sld [smem:$0x3FB0]  }
0x2d: {  	s3 =	simm.s32 $0x108;
	s8 =	sld [smem:$0x3FB1]  }
0x2e: {  	s3 =	simm.s32 @!p0 $0x1082;
	s9 =	sld [smem:$0x3FB2]  }
0x2f: {  	lr =	sadd.s32 s0, s3;
	s0 =	sld [smem:$0x3FA9]  }
0x30: {  	s3 =	sld [smem:$0x3FAC]  }
0x31: {  	[smem:$0x3FB5] =	sst s10  }
0x32: {  	s10 =	sld [smem:$0x3FB3];
	_ =	sdelay $0x3  }
0x33: {  	p0 =	seq.s32 s10, $0x1;
	s10 =	sld [smem:$0x3FB5];
	_ =	sdelay $0x3  }
0x34: {  	[smem:$0x3FB5] =	sst s10  }
0x35: {  	s10 =	sld [smem:$0x3FB4];
	_ =	sdelay $0x3  }
0x36: {  	p1 =	seq.s32 s10, $0x1;
	s10 =	sld [smem:$0x3FB5];
	_ =	sdelay $0x3  }
0x37: {  	[smem:$0x3FB5] =	sst s10  }
0x38: {  	s10 =	sld [smem:$0x3FB6]  }
0x39: {  	_ = 	snop;
	(pc) =	sbr.ind lr, $3  }
0x3a: {  	_ = 	snop  }
0x3b: {  	_ = 	snop  }
0x3c: {  	p2 =	seq.s32 s10, $0x1;
	s10 =	sld [smem:$0x3FB5]  }
0x3d: {  	_ =	shalt  }
0x3e: {  	_ =	shalt  }
0x3f: {  	_ =	shalt  }
0x40: {  	_ =	shalt  }
0x41: {  	_ =	shalt  }
0x42: {  	_ =	shalt  }
0x43: {  	_ =	shalt  }
0x44: {  	_ =	shalt  }
0x45: {  	_ =	shalt  }
0x46: {  	_ =	shalt  }
0x47: {  	_ =	shalt  }
0x48: {  	_ =	shalt  }
0x49: {  	_ =	shalt  }
0x4a: {  	_ =	shalt  }
0x4b: {  	_ =	shalt  }
0x4c: {  	_ =	shalt  }
0x4d: {  	_ =	shalt  }
0x4e: {  	_ =	shalt  }
0x4f: {  	_ =	shalt  }
0x50: {  	_ =	shalt  }
0x51: {  	_ =	shalt  }
0x52: {  	_ =	shalt  }
0x53: {  	_ =	shalt  }
0x54: {  	_ =	shalt  }
0x55: {  	_ =	shalt  }
0x56: {  	_ =	shalt  }
0x57: {  	_ =	shalt  }
0x58: {  	_ =	shalt  }
0x59: {  	_ =	shalt  }
0x5a: {  	_ =	shalt  }
0x5b: {  	_ =	shalt  }
0x5c: {  	_ =	shalt  }
0x5d: {  	_ =	shalt  }
0x5e: {  	_ =	shalt  }
0x5f: {  	_ =	shalt  }
0x60: {  	_ =	shalt  }
0x61: {  	_ =	shalt  }
0x62: {  	_ =	shalt  }
0x63: {  	_ =	shalt  }
0x64: {  	_ =	shalt  }
0x65: {  	_ =	shalt  }
0x66: {  	_ =	shalt  }
0x67: {  	_ =	shalt  }
0x68: {  	_ =	shalt  }
0x69: {  	_ =	shalt  }
0x6a: {  	_ =	shalt  }
0x6b: {  	_ =	shalt  }
0x6c: {  	_ =	shalt  }
0x6d: {  	_ =	shalt  }
0x6e: {  	_ =	shalt  }
0x6f: {  	_ =	shalt  }
0x70: {  	_ =	shalt  }
0x71: {  	_ =	shalt  }
0x72: {  	_ =	shalt  }
0x73: {  	_ =	shalt  }
0x74: {  	_ =	shalt  }
0x75: {  	_ =	shalt  }
0x76: {  	_ =	shalt  }
0x77: {  	_ =	shalt  }
0x78: {  	_ =	shalt  }
0x79: {  	_ =	shalt  }
0x7a: {  	_ =	shalt  }
0x7b: {  	_ =	shalt  }
0x7c: {  	_ =	shalt  }
0x7d: {  	_ =	shalt  }
0x7e: {  	_ =	shalt  }
0x7f: {  	_ =	shalt  }
0x80: {  	_ =	shalt  }
0x81: {  	_ =	shalt  }
0x82: {  	_ =	shalt  }
0x83: {  	_ =	shalt  }
0x84: {  	_ =	shalt  }
0x85: {  	_ =	shalt  }
0x86: {  	_ =	shalt  }
0x87: {  	_ =	shalt  }
.Lfunc_end0:
.L_simem_size_0:
called_computation_lowered:
.L_overlay_start_0:
0x88: {  	s2 =	sld [smem:$0x3FD9]  }
0x89: {  	s3 =	sld [smem:$0x3FFE];
	_ =	sdelay $0x1  }
0x8a: {  	s1 =	srdreg.scid  }
0x8b: {  	s0 =	sand.u32 $0x1, s1  }
0x8c: {  	s14 =	sshll.u32 s0, $0xA;
	s2 =	sadd.s32 s3, s2  }
0x8d: {  	s2 =	sadd.s32 s2, s14  }
0x8e: {  	[smem:$0x3FC1] =	sst s2  }
0x8f: {  	_ = 	snop  }
0x90: {  	s2 =	sld [smem:$0x3FD0];
	_ =	sdelay $0x2  }
0x91: {  	s15 =	simm.s32 $0xA;
	s4 =	simm.s32 $0x10  }
0x92: {  	[smem:s4], [sflag:s15] =	dma.local [hbm:s2], $0x1  }
0x93: {  	_ =	swait.eq [sflag:s15], $0x1  }
0x94: {  	[sflag:s15] =	ssyncset.done $0x0  }
0x95: {  	[sflag:s15] =	ssyncadd.s32 $0xFFFFFFFF  }
0x96: {  	s16 =	sld [smem:$0x10];
	(tm) =	ssettm $0x1  }
0x97: {  	s17 =	sld [smem:$0x3FFB];
	_ =	sdelay $0x3  }
0x98: {  	_ =	strace s17  }
0x99: {  	s3 =	sld [smem:$0x3FFC];
	_ =	sdelay $0x3  }
0x9a: {  	_ =	strace s3  }
0x9b: {  	s3 =	sld [smem:$0x3FFD];
	_ =	sdelay $0x3  }
0x9c: {  	_ =	strace s3  }
0x9d: {  	_ =	strace $0x8FFFFFFF  }
0x9e: {  	s18 =	sld [smem:$0x3FDB];
	_ =	sdelay $0x1  }
0x9f: {  	s19 =	simm.s32 $_scs_section_size  }
0xa0: {  	s5 =	simm.s32 $_size__tile_overlayer_lowered;
	s6 =	simm.s32 $_tile_overlayer_lowered  }
0xa1: {  	s22 =	simm.s32 $0x1BFF;
	s21 =	sshll.u32 s6, $0x1;
	s3 =	sadd.s32 s19, s18  }
0xa2: {  	s7 =	simm.s32 $0x0;
	s20 =	sshll.u32 s5, $0x1;
	s5 =	sadd.s32 s21, s3  }
0xa3: {  	[timem:s7], [sflag:s22] =	dma.local [hbm:s5], s20  }
0xa4: {  	_ =	swait.ge [sflag:s22], s20  }
0xa5: {  	s4 =	ssub.s32 $0x0, s20;
	[sflag:s22] =	ssyncset.done $0x0  }
0xa6: {  	[sflag:s22] =	ssyncadd.s32 s4;
	_ =	sdelay $0x1  }
0xa7: {  	s23 =	simm.s32 $0x1B8B  }
0xa8: {  	_ =	swait.ge [sflag:s23], $0x1  }
0xa9: {  	[sflag:s23] =	ssyncset.done $0x0  }
0xaa: {  	s25 =	simm.s32 $0x1B8E;
	s24 =	sld [smem:$0x3FFE];
	[sflag:s23] =	ssyncadd.s32 $0xFFFFFFFF  }
0xab: {  	s26 =	simm.s32 $execute0_lowered;
	[smem:$0x3FD2] =	sst s25  }
0xac: {  	s5 =	sshll.u32 s26, $0x1;
	_ =	strace $0x80000046;
	[dreg:$0x1] =	wrdreg $0xFFFFFFFF  }
0xad: {  	s28 =	simm.s32 $_size_execute0_lowered;
	s3 =	sadd.s32 s3, s5;
	[dreg:$0x0] =	wrdreg $0x0  }
0xae: {  	s5 =	sshll.u32 s28, $0x1;
	[dreg:$0x2] =	wrdreg s3  }
0xaf: {  	[dreg:$0x3] =	wrdreg s5  }
0xb0: {  	[dreg:$0x4] =	wrdreg $0xC0  }
0xb1: {  	_ =	task [dreg:s7], $0x5FFFF  }
0xb2: {  	[dreg:$0x1] =	wrdreg $0xFFFFFFFF  }
0xb3: {  	[dreg:$0x0] =	wrdreg $0x60  }
0xb4: {  	[dreg:$0x2] =	wrdreg s24  }
0xb5: {  	[dreg:$0x3] =	wrdreg s16  }
0xb6: {  	[dreg:$0x4] =	wrdreg $0x9  }
0xb7: {  	_ =	task.clear_ibuf [dreg:s7], $0x5FFFF;
	_ =	strace $0x90000046  }
0xb8: {  	s29 =	simm.s32 $0x9;
	_ =	strace $0x80000048  }
0xb9: {  	_ =	swait.ge [sflag:s29], $0x1  }
0xba: {  	[sflag:s29] =	ssyncadd.s32 $0xFFFFFFFF  }
0xbb: {  	_ =	strace $0x90000048  }
0xbc: {  	_ =	sfence  }
0xbd: {  	s30 =	sld [smem:$0x0];
	_ =	sdelay $0x2  }
0xbe: {  	s31 =	sshll.u32 s1, $0xD;
	s1 =	sshrl.u32 s1, $0x2  }
0xbf: {  	s3 =	sand.u32 $0x4000, s31;
	s1 =	sadd.s32 s1, s30  }
0xc0: {  	s0 =	sor.u32 s3, s0;
	s1 =	sshll.u32 s1, $0x11  }
0xc1: {  	s0 =	sor.u32 s1, s0  }
0xc2: {  	s0 =	sadd.s32 $0x8F2B, s0  }
0xc3: {  	[sflag:s0] =	ssyncadd.remote.s32 $0x1  }
0xc4: {  	_ =	sfence.sel $0xFFFF  }
0xc5: {  	[dreg:$0x0] =	wrdreg $0xFFFFFFFF;
	(pc) =	sbr.abs _section_cstart, $3  }
0xc6: {  	[dreg:$0x1] =	wrdreg $0xFFFFFFFF  }
0xc7: {  	_ =	task.clear_ibuf [dreg:s7], $0x2FFFF;
	_ =	strace $0x9FFFFFFF  }
0xc8: {  	(tm) =	ssettm $0x7FFFFFFF  }
0xc9: {  	_ =	shalt  }
tec
execute0_lowered:
.L_overlay_start_1:
0x0: {  	(tag) =	ssettag $0x1  }
0x1: {  	s4 =	rddreg [dreg:$0x0]  }
0x2: {  	s5 =	rddreg [dreg:$0x1]  }
0x3: {  	s0 =	rddreg [dreg:$0x2];
	s2 =	simm.s32 $0x0  }
0x4: {  	s3 =	srdreg.scid;
	s1 =	stileid.u32;
	s10 =	simm.s32 $0x4400  }
0x5: {  	s11 =	simm.s32 $0x100;
	s12 =	simm.s32 $0x8400;
	s13 =	simm.s32 $0x180  }
0x6: {  	s14 =	simm.s32 $0xC400;
	s15 =	simm.s32 $0x200;
	s16 =	simm.s32 $0x10400  }
0x7: {  	s17 =	simm.s32 $0x1;
	s18 =	simm.s32 $0x14400;
	s19 =	simm.s32 $0x0  }
0x8: {  	[smem:$0x7FF] =	sst s2;
	s6 =	sand.u32 $0x1, s3;
	s7 =	sshll.u32 s1, $0x1  }
0x9: {  	s3 =	sadd.s32 $0x1000, s4;
	s7 =	sor.u32 s6, s7;
	s6 =	ssub.s32 $0x2, s6  }
0xa: {  	_ =	strace $0x80000047;
	s8 =	sshll.u32 s7, $0x9;
	s9 =	sshrl.u32 s6, $0x1  }
0xb: {  	s7 =	sshll.u32 s7, $0x7;
	s8 =	sadd.s32 s8, s4;
	s6 =	ssub.s32 s6, s9  }
0xc: {  	s4 =	sadd.s32 s5, s7;
	s7 =	simm.s32 $0x2;
	s9 =	simm.s32 $0x400  }
0xd: {  	s5 =	sadd.s32 $0x41000, s8;
	s6 =	smax.u32 s6, $0x1;
	s8 =	simm.s32 $0x80  }
.LBB2_1:
0xe: {  	[tilespmem:s2], [sflag:$0x2] =	stream.linear.gather [hbm4b:s4+s2], $0x280, $0x38;
	[tilespmem:$0x15400] =	vst v63  }
0xf: {  	_ =	swait.ge [sflag:s7], $0x280  }
0x10: {  	[sflag:s7] =	ssyncset.done $0x0  }
0x11: {  	[sflag:s7] =	ssyncadd.s32 $0xFFFFFD80  }
0x12: {  	[tilespmem:s9], [sflag:$0x1] =	stream.indirect.gather [hbm4b:s3+s8], $0x80, s2, s8, $0xb8;
	[tilespmem:$0x15400] =	vst v63  }
0x13: {  	_ = 	snop  }
0x14: {  	[tilespmem:s10], [sflag:$0x1] =	stream.indirect.gather [hbm4b:s3+s8], $0x80, s8, s8, $0xb8;
	[tilespmem:$0x15400] =	vst v63  }
0x15: {  	_ = 	snop  }
0x16: {  	[tilespmem:s12], [sflag:$0x1] =	stream.indirect.gather [hbm4b:s3+s8], $0x80, s11, s8, $0xb8;
	[tilespmem:$0x15400] =	vst v63  }
0x17: {  	_ = 	snop  }
0x18: {  	[tilespmem:s14], [sflag:$0x1] =	stream.indirect.gather [hbm4b:s3+s8], $0x80, s13, s8, $0xb8;
	[tilespmem:$0x15400] =	vst v63  }
0x19: {  	_ = 	snop  }
0x1a: {  	[tilespmem:s16], [sflag:$0x1] =	stream.indirect.gather [hbm4b:s3+s8], $0x80, s15, s8, $0xb8;
	[tilespmem:$0x15400] =	vst v63  }
0x1b: {  	_ =	swait.ge [sflag:s17], $0x4000  }
0x1c: {  	[sflag:s17] =	ssyncset.done $0x0  }
0x1d: {  	[sflag:s17] =	ssyncadd.s32 $0xFFFFC000  }
0x1e: {  	_ =	swait.ge [sflag:s17], $0x4000  }
0x1f: {  	[sflag:s17] =	ssyncset.done $0x0  }
0x20: {  	[sflag:s17] =	ssyncadd.s32 $0xFFFFC000  }
0x21: {  	_ =	swait.ge [sflag:s17], $0x4000  }
0x22: {  	[sflag:s17] =	ssyncset.done $0x0  }
0x23: {  	[sflag:s17] =	ssyncadd.s32 $0xFFFFC000  }
0x24: {  	_ =	swait.ge [sflag:s17], $0x4000  }
0x25: {  	[sflag:s17] =	ssyncset.done $0x0  }
0x26: {  	[sflag:s17] =	ssyncadd.s32 $0xFFFFC000  }
0x27: {  	_ =	swait.ge [sflag:s17], $0x4000  }
0x28: {  	[sflag:s17] =	ssyncset.done $0x0  }
0x29: {  	s20 =	simm.s32 $0x900;
	[sflag:s17] =	ssyncadd.s32 $0xFFFFC000  }
0x2a: {  	v0 =	vld [tilespmem:s20+$0xFFFFFB80]  }
0x2b: {  	v1 =	vld [tilespmem:s20+$0xFFFFFB00];
	_ =	sdelay $0x1  }
0x2c: {  	v2 =	vld [tilespmem:s20+$0xFFFFFC00];
	_ =	sdelay $0x1  }
0x2d: {  	v3 =	vld [tilespmem:s20+$0xFFFFFC80]  }
0x2e: {  	v0 =	vadd.f32 v0, v1  }
0x2f: {  	v1 =	vld [tilespmem:s20+$0xFFFFFD00]  }
0x30: {  	v0 =	vadd.f32 v2, v0  }
0x31: {  	v2 =	vld [tilespmem:s20+$0xFFFFFD80]  }
0x32: {  	v0 =	vadd.f32 v3, v0  }
0x33: {  	v3 =	vld [tilespmem:s20+$0xFFFFFE00]  }
0x34: {  	v0 =	vadd.f32 v1, v0  }
0x35: {  	v1 =	vld [tilespmem:s20+$0xFFFFFE80]  }
0x36: {  	v0 =	vadd.f32 v2, v0  }
0x37: {  	v2 =	vld [tilespmem:s20+$0xFFFFFF00]  }
0x38: {  	v0 =	vadd.f32 v3, v0  }
0x39: {  	v3 =	vld [tilespmem:s20+$0xFFFFFF80]  }
0x3a: {  	v0 =	vadd.f32 v1, v0  }
0x3b: {  	v1 =	vld [tilespmem:s20+$0x0]  }
0x3c: {  	v0 =	vadd.f32 v2, v0  }
0x3d: {  	v2 =	vld [tilespmem:s20+$0x80]  }
0x3e: {  	v0 =	vadd.f32 v3, v0  }
0x3f: {  	v3 =	vld [tilespmem:s20+$0x100]  }
0x40: {  	v0 =	vadd.f32 v1, v0  }
0x41: {  	v1 =	vld [tilespmem:s20+$0x180]  }
0x42: {  	v0 =	vadd.f32 v2, v0  }
0x43: {  	v2 =	vld [tilespmem:s20+$0x200]  }
0x44: {  	v0 =	vadd.f32 v3, v0  }
0x45: {  	v3 =	vld [tilespmem:s20+$0x280]  }
0x46: {  	v0 =	vadd.f32 v1, v0  }
0x47: {  	v1 =	vld [tilespmem:s20+$0x300]  }
0x48: {  	v0 =	vadd.f32 v2, v0  }
0x49: {  	v2 =	vld [tilespmem:s20+$0x380]  }
0x4a: {  	v0 =	vadd.f32 v3, v0  }
0x4b: {  	v3 =	vld [tilespmem:s20+$0x400]  }
0x4c: {  	v0 =	vadd.f32 v1, v0  }
0x4d: {  	v1 =	vld [tilespmem:s20+$0x480]  }
0x4e: {  	v0 =	vadd.f32 v2, v0;
	_ =	sdelay $0x1  }
0x4f: {  	v0 =	vadd.f32 v3, v0;
	_ =	sdelay $0x1  }
0x50: {  	v0 =	vadd.f32 v1, v0;
	_ =	sdelay $0x1  }
0x51: {  	v0 =	vmul.f32 $5.000000070e-02, v0;
	_ =	sdelay $0x1  }
0x52: {  	v0 =	vadd.f32 v0, v0;
	_ =	sdelay $0x1  }
0x53: {  	v0 =	vmul.f32 $1.442695020e+00, v0;
	_ =	sdelay $0x1  }
0x54: {  	(erf) = vpow2.f32 v0;
	_ =	sdelay $0x8  }
0x55: {  	v0 =	vpop (erf)  }
0x56: {  	v0 =	vadd.f32 $1.000000000e+00, v0;
	_ =	sdelay $0x1  }
0x57: {  	(erf) = vrcp.f32 v0;
	_ =	sdelay $0x8  }
0x58: {  	v0 =	vpop (erf)  }
0x59: {  	v0 =	vadd.f32 v0, v0;
	_ =	sdelay $0x1  }
0x5a: {  	v0 =	vsub.f32 $1.000000000e+00, v0  }
0x5b: {  	s21 =	simm.s32 $0x0  }
0x5c: {  	[tilespmem:s21+$0x14400] =	vst v0  }
0x5d: {  	v0 =	vld [tilespmem:s20+$0xFFFFFB10]  }
0x5e: {  	v1 =	vld [tilespmem:s20+$0xFFFFFB90];
	_ =	sdelay $0x1  }
0x5f: {  	v2 =	vld [tilespmem:s20+$0xFFFFFC10];
	_ =	sdelay $0x1  }
0x60: {  	v3 =	vld [tilespmem:s20+$0xFFFFFC90]  }
0x61: {  	v0 =	vadd.f32 v1, v0  }
0x62: {  	v1 =	vld [tilespmem:s20+$0xFFFFFD10]  }
0x63: {  	v0 =	vadd.f32 v2, v0  }
0x64: {  	v2 =	vld [tilespmem:s20+$0xFFFFFD90]  }
0x65: {  	v0 =	vadd.f32 v3, v0  }
0x66: {  	v3 =	vld [tilespmem:s20+$0xFFFFFE10]  }
0x67: {  	v0 =	vadd.f32 v1, v0  }
0x68: {  	v1 =	vld [tilespmem:s20+$0xFFFFFE90]  }
0x69: {  	v0 =	vadd.f32 v2, v0  }
0x6a: {  	v2 =	vld [tilespmem:s20+$0xFFFFFF10]  }
0x6b: {  	v0 =	vadd.f32 v3, v0  }
0x6c: {  	v3 =	vld [tilespmem:s20+$0xFFFFFF90]  }
0x6d: {  	v0 =	vadd.f32 v1, v0  }
0x6e: {  	v1 =	vld [tilespmem:s20+$0x10]  }
0x6f: {  	v0 =	vadd.f32 v2, v0  }
0x70: {  	v2 =	vld [tilespmem:s20+$0x90]  }
0x71: {  	v0 =	vadd.f32 v3, v0  }
0x72: {  	v3 =	vld [tilespmem:s20+$0x110]  }
0x73: {  	v0 =	vadd.f32 v1, v0  }
0x74: {  	v1 =	vld [tilespmem:s20+$0x190]  }
0x75: {  	v0 =	vadd.f32 v2, v0  }
0x76: {  	v2 =	vld [tilespmem:s20+$0x210]  }
0x77: {  	v0 =	vadd.f32 v3, v0  }
0x78: {  	v3 =	vld [tilespmem:s20+$0x290]  }
0x79: {  	v0 =	vadd.f32 v1, v0  }
0x7a: {  	v1 =	vld [tilespmem:s20+$0x310]  }
0x7b: {  	v0 =	vadd.f32 v2, v0  }
0x7c: {  	v2 =	vld [tilespmem:s20+$0x390]  }
0x7d: {  	v0 =	vadd.f32 v3, v0  }
0x7e: {  	v3 =	vld [tilespmem:s20+$0x410]  }
0x7f: {  	v0 =	vadd.f32 v1, v0  }
0x80: {  	v1 =	vld [tilespmem:s20+$0x490]  }
0x81: {  	v0 =	vadd.f32 v2, v0;
	_ =	sdelay $0x1  }
0x82: {  	v0 =	vadd.f32 v3, v0;
	_ =	sdelay $0x1  }
0x83: {  	v0 =	vadd.f32 v1, v0;
	_ =	sdelay $0x1  }
0x84: {  	v0 =	vmul.f32 $5.000000070e-02, v0;
	_ =	sdelay $0x1  }
0x85: {  	v0 =	vadd.f32 v0, v0;
	_ =	sdelay $0x1  }
0x86: {  	v0 =	vmul.f32 $1.442695020e+00, v0;
	_ =	sdelay $0x1  }
0x87: {  	(erf) = vpow2.f32 v0;
	_ =	sdelay $0x8  }
0x88: {  	v0 =	vpop (erf)  }
0x89: {  	v0 =	vadd.f32 $1.000000000e+00, v0;
	_ =	sdelay $0x1  }
0x8a: {  	(erf) = vrcp.f32 v0;
	_ =	sdelay $0x8  }
0x8b: {  	v0 =	vpop (erf)  }
0x8c: {  	v0 =	vadd.f32 v0, v0;
	_ =	sdelay $0x1  }
0x8d: {  	v0 =	vsub.f32 $1.000000000e+00, v0;
	_ =	sdelay $0x1  }
0x8e: {  	[tilespmem:s21+$0x14410] =	vst v0  }
0x8f: {  	v0 =	vld [tilespmem:s20+$0xFFFFFB20]  }
0x90: {  	v1 =	vld [tilespmem:s20+$0xFFFFFBA0];
	_ =	sdelay $0x1  }
0x91: {  	v2 =	vld [tilespmem:s20+$0xFFFFFC20];
	_ =	sdelay $0x1  }
0x92: {  	v3 =	vld [tilespmem:s20+$0xFFFFFCA0]  }
0x93: {  	v0 =	vadd.f32 v1, v0  }
0x94: {  	v1 =	vld [tilespmem:s20+$0xFFFFFD20]  }
0x95: {  	v0 =	vadd.f32 v2, v0  }
0x96: {  	v2 =	vld [tilespmem:s20+$0xFFFFFDA0]  }
0x97: {  	v0 =	vadd.f32 v3, v0  }
0x98: {  	v3 =	vld [tilespmem:s20+$0xFFFFFE20]  }
0x99: {  	v0 =	vadd.f32 v1, v0  }
0x9a: {  	v1 =	vld [tilespmem:s20+$0xFFFFFEA0]  }
0x9b: {  	v0 =	vadd.f32 v2, v0  }
0x9c: {  	v2 =	vld [tilespmem:s20+$0xFFFFFF20]  }
0x9d: {  	v0 =	vadd.f32 v3, v0  }
0x9e: {  	v3 =	vld [tilespmem:s20+$0xFFFFFFA0]  }
0x9f: {  	v0 =	vadd.f32 v1, v0  }
0xa0: {  	v1 =	vld [tilespmem:s20+$0x20]  }
0xa1: {  	v0 =	vadd.f32 v2, v0  }
0xa2: {  	v2 =	vld [tilespmem:s20+$0xA0]  }
0xa3: {  	v0 =	vadd.f32 v3, v0  }
0xa4: {  	v3 =	vld [tilespmem:s20+$0x120]  }
0xa5: {  	v0 =	vadd.f32 v1, v0  }
0xa6: {  	v1 =	vld [tilespmem:s20+$0x1A0]  }
0xa7: {  	v0 =	vadd.f32 v2, v0  }
0xa8: {  	v2 =	vld [tilespmem:s20+$0x220]  }
0xa9: {  	v0 =	vadd.f32 v3, v0  }
0xaa: {  	v3 =	vld [tilespmem:s20+$0x2A0]  }
0xab: {  	v0 =	vadd.f32 v1, v0  }
0xac: {  	v1 =	vld [tilespmem:s20+$0x320]  }
0xad: {  	v0 =	vadd.f32 v2, v0  }
0xae: {  	v2 =	vld [tilespmem:s20+$0x3A0]  }
0xaf: {  	v0 =	vadd.f32 v3, v0  }
0xb0: {  	v3 =	vld [tilespmem:s20+$0x420]  }
0xb1: {  	v0 =	vadd.f32 v1, v0  }
0xb2: {  	v1 =	vld [tilespmem:s20+$0x4A0]  }
0xb3: {  	v0 =	vadd.f32 v2, v0;
	_ =	sdelay $0x1  }
0xb4: {  	v0 =	vadd.f32 v3, v0;
	_ =	sdelay $0x1  }
0xb5: {  	v0 =	vadd.f32 v1, v0;
	_ =	sdelay $0x1  }
0xb6: {  	v0 =	vmul.f32 $5.000000070e-02, v0;
	_ =	sdelay $0x1  }
0xb7: {  	v0 =	vadd.f32 v0, v0;
	_ =	sdelay $0x1  }
0xb8: {  	v0 =	vmul.f32 $1.442695020e+00, v0;
	_ =	sdelay $0x1  }
0xb9: {  	(erf) = vpow2.f32 v0;
	_ =	sdelay $0x8  }
0xba: {  	v0 =	vpop (erf)  }
0xbb: {  	v0 =	vadd.f32 $1.000000000e+00, v0;
	_ =	sdelay $0x1  }
0xbc: {  	(erf) = vrcp.f32 v0;
	_ =	sdelay $0x8  }
0xbd: {  	v0 =	vpop (erf)  }
0xbe: {  	v0 =	vadd.f32 v0, v0;
	_ =	sdelay $0x1  }
0xbf: {  	v0 =	vsub.f32 $1.000000000e+00, v0;
	_ =	sdelay $0x1  }
0xc0: {  	[tilespmem:s21+$0x14420] =	vst v0  }
0xc1: {  	v0 =	vld [tilespmem:s20+$0xFFFFFB30]  }
0xc2: {  	v1 =	vld [tilespmem:s20+$0xFFFFFBB0];
	_ =	sdelay $0x1  }
0xc3: {  	v2 =	vld [tilespmem:s20+$0xFFFFFC30];
	_ =	sdelay $0x1  }
0xc4: {  	v3 =	vld [tilespmem:s20+$0xFFFFFCB0]  }
0xc5: {  	v0 =	vadd.f32 v1, v0  }
0xc6: {  	v1 =	vld [tilespmem:s20+$0xFFFFFD30]  }
0xc7: {  	v0 =	vadd.f32 v2, v0  }
0xc8: {  	v2 =	vld [tilespmem:s20+$0xFFFFFDB0]  }
0xc9: {  	v0 =	vadd.f32 v3, v0  }
0xca: {  	v3 =	vld [tilespmem:s20+$0xFFFFFE30]  }
0xcb: {  	v0 =	vadd.f32 v1, v0  }
0xcc: {  	v1 =	vld [tilespmem:s20+$0xFFFFFEB0]  }
0xcd: {  	v0 =	vadd.f32 v2, v0  }
0xce: {  	v2 =	vld [tilespmem:s20+$0xFFFFFF30]  }
0xcf: {  	v0 =	vadd.f32 v3, v0  }
0xd0: {  	v3 =	vld [tilespmem:s20+$0xFFFFFFB0]  }
0xd1: {  	v0 =	vadd.f32 v1, v0  }
0xd2: {  	v1 =	vld [tilespmem:s20+$0x30]  }
0xd3: {  	v0 =	vadd.f32 v2, v0  }
0xd4: {  	v2 =	vld [tilespmem:s20+$0xB0]  }
0xd5: {  	v0 =	vadd.f32 v3, v0  }
0xd6: {  	v3 =	vld [tilespmem:s20+$0x130]  }
0xd7: {  	v0 =	vadd.f32 v1, v0  }
0xd8: {  	v1 =	vld [tilespmem:s20+$0x1B0]  }
0xd9: {  	v0 =	vadd.f32 v2, v0  }
0xda: {  	v2 =	vld [tilespmem:s20+$0x230]  }
0xdb: {  	v0 =	vadd.f32 v3, v0  }
0xdc: {  	v3 =	vld [tilespmem:s20+$0x2B0]  }
0xdd: {  	v0 =	vadd.f32 v1, v0  }
0xde: {  	v1 =	vld [tilespmem:s20+$0x330]  }
0xdf: {  	v0 =	vadd.f32 v2, v0  }
0xe0: {  	v2 =	vld [tilespmem:s20+$0x3B0]  }
0xe1: {  	v0 =	vadd.f32 v3, v0  }
0xe2: {  	v3 =	vld [tilespmem:s20+$0x430]  }
0xe3: {  	v0 =	vadd.f32 v1, v0  }
0xe4: {  	v1 =	vld [tilespmem:s20+$0x4B0]  }
0xe5: {  	v0 =	vadd.f32 v2, v0;
	_ =	sdelay $0x1  }
0xe6: {  	v0 =	vadd.f32 v3, v0;
	_ =	sdelay $0x1  }
0xe7: {  	v0 =	vadd.f32 v1, v0;
	_ =	sdelay $0x1  }
0xe8: {  	v0 =	vmul.f32 $5.000000070e-02, v0;
	_ =	sdelay $0x1  }
0xe9: {  	v0 =	vadd.f32 v0, v0;
	_ =	sdelay $0x1  }
0xea: {  	v0 =	vmul.f32 $1.442695020e+00, v0;
	_ =	sdelay $0x1  }
0xeb: {  	(erf) = vpow2.f32 v0;
	_ =	sdelay $0x8  }
0xec: {  	v0 =	vpop (erf)  }
0xed: {  	v0 =	vadd.f32 $1.000000000e+00, v0;
	_ =	sdelay $0x1  }
0xee: {  	(erf) = vrcp.f32 v0;
	_ =	sdelay $0x8  }
0xef: {  	s22 =	simm.s32 $0x200;
	v0 =	vpop (erf)  }
.LBB2_2:
0xf0: {  	p0 =	sne.s32 s22, $0x3E00  }
0xf1: {  	v0 =	vadd.f32 v0, v0;
	s20 =	sadd.s32 $0xA00, s20;
	s23 =	smov.u32 s22;
	s22 =	sadd.s32 $0x200, s22  }
0xf2: {  	_ = 	snop  }
0xf3: {  	v0 =	vsub.f32 $1.000000000e+00, v0;
	_ =	sdelay $0x1  }
0xf4: {  	[tilespmem:s21+$0x14430] =	vst v0  }
0xf5: {  	v0 =	vld [tilespmem:s20+$0xFFFFFB80]  }
0xf6: {  	v1 =	vld [tilespmem:s20+$0xFFFFFB00];
	_ =	sdelay $0x1  }
0xf7: {  	v2 =	vld [tilespmem:s20+$0xFFFFFC00];
	_ =	sdelay $0x1  }
0xf8: {  	v3 =	vld [tilespmem:s20+$0xFFFFFC80]  }
0xf9: {  	v0 =	vadd.f32 v0, v1  }
0xfa: {  	v1 =	vld [tilespmem:s20+$0xFFFFFD00]  }
0xfb: {  	v0 =	vadd.f32 v2, v0  }
0xfc: {  	v2 =	vld [tilespmem:s20+$0xFFFFFD80]  }
0xfd: {  	v0 =	vadd.f32 v3, v0  }
0xfe: {  	v3 =	vld [tilespmem:s20+$0xFFFFFE00]  }
0xff: {  	v0 =	vadd.f32 v1, v0  }
0x100: {  	v1 =	vld [tilespmem:s20+$0xFFFFFE80]  }
0x101: {  	v0 =	vadd.f32 v2, v0  }
0x102: {  	v2 =	vld [tilespmem:s20+$0xFFFFFF00]  }
0x103: {  	v0 =	vadd.f32 v3, v0  }
0x104: {  	v3 =	vld [tilespmem:s20+$0xFFFFFF80]  }
0x105: {  	v0 =	vadd.f32 v1, v0  }
0x106: {  	v1 =	vld [tilespmem:s20+$0x0]  }
0x107: {  	v0 =	vadd.f32 v2, v0  }
0x108: {  	v2 =	vld [tilespmem:s20+$0x80]  }
0x109: {  	v0 =	vadd.f32 v3, v0  }
0x10a: {  	v3 =	vld [tilespmem:s20+$0x100]  }
0x10b: {  	v0 =	vadd.f32 v1, v0  }
0x10c: {  	v1 =	vld [tilespmem:s20+$0x180]  }
0x10d: {  	v0 =	vadd.f32 v2, v0  }
0x10e: {  	v2 =	vld [tilespmem:s20+$0x200]  }
0x10f: {  	v0 =	vadd.f32 v3, v0  }
0x110: {  	v3 =	vld [tilespmem:s20+$0x280]  }
0x111: {  	v0 =	vadd.f32 v1, v0  }
0x112: {  	v1 =	vld [tilespmem:s20+$0x300]  }
0x113: {  	v0 =	vadd.f32 v2, v0  }
0x114: {  	v2 =	vld [tilespmem:s20+$0x380]  }
0x115: {  	v0 =	vadd.f32 v3, v0  }
0x116: {  	v3 =	vld [tilespmem:s20+$0x400]  }
0x117: {  	v0 =	vadd.f32 v1, v0  }
0x118: {  	v1 =	vld [tilespmem:s20+$0x480]  }
0x119: {  	v0 =	vadd.f32 v2, v0;
	_ =	sdelay $0x1  }
0x11a: {  	v0 =	vadd.f32 v3, v0;
	_ =	sdelay $0x1  }
0x11b: {  	v0 =	vadd.f32 v1, v0;
	_ =	sdelay $0x1  }
0x11c: {  	v0 =	vmul.f32 $5.000000070e-02, v0;
	_ =	sdelay $0x1  }
0x11d: {  	v0 =	vadd.f32 v0, v0;
	_ =	sdelay $0x1  }
0x11e: {  	v0 =	vmul.f32 $1.442695020e+00, v0;
	_ =	sdelay $0x1  }
0x11f: {  	(erf) = vpow2.f32 v0;
	_ =	sdelay $0x8  }
0x120: {  	v0 =	vpop (erf)  }
0x121: {  	v0 =	vadd.f32 $1.000000000e+00, v0;
	_ =	sdelay $0x1  }
0x122: {  	(erf) = vrcp.f32 v0;
	_ =	sdelay $0x8  }
0x123: {  	v0 =	vpop (erf)  }
0x124: {  	v0 =	vadd.f32 v0, v0;
	_ =	sdelay $0x1  }
0x125: {  	v0 =	vsub.f32 $1.000000000e+00, v0  }
0x126: {  	s21 =	sshra.s32 s23, $0x2  }
0x127: {  	[tilespmem:s21+$0x14400] =	vst v0  }
0x128: {  	v0 =	vld [tilespmem:s20+$0xFFFFFB10]  }
0x129: {  	v1 =	vld [tilespmem:s20+$0xFFFFFB90];
	_ =	sdelay $0x1  }
0x12a: {  	v2 =	vld [tilespmem:s20+$0xFFFFFC10];
	_ =	sdelay $0x1  }
0x12b: {  	v3 =	vld [tilespmem:s20+$0xFFFFFC90]  }
0x12c: {  	v0 =	vadd.f32 v1, v0  }
0x12d: {  	v1 =	vld [tilespmem:s20+$0xFFFFFD10]  }
0x12e: {  	v0 =	vadd.f32 v2, v0  }
0x12f: {  	v2 =	vld [tilespmem:s20+$0xFFFFFD90]  }
0x130: {  	v0 =	vadd.f32 v3, v0  }
0x131: {  	v3 =	vld [tilespmem:s20+$0xFFFFFE10]  }
0x132: {  	v0 =	vadd.f32 v1, v0  }
0x133: {  	v1 =	vld [tilespmem:s20+$0xFFFFFE90]  }
0x134: {  	v0 =	vadd.f32 v2, v0  }
0x135: {  	v2 =	vld [tilespmem:s20+$0xFFFFFF10]  }
0x136: {  	v0 =	vadd.f32 v3, v0  }
0x137: {  	v3 =	vld [tilespmem:s20+$0xFFFFFF90]  }
0x138: {  	v0 =	vadd.f32 v1, v0  }
0x139: {  	v1 =	vld [tilespmem:s20+$0x10]  }
0x13a: {  	v0 =	vadd.f32 v2, v0  }
0x13b: {  	v2 =	vld [tilespmem:s20+$0x90]  }
0x13c: {  	v0 =	vadd.f32 v3, v0  }
0x13d: {  	v3 =	vld [tilespmem:s20+$0x110]  }
0x13e: {  	v0 =	vadd.f32 v1, v0  }
0x13f: {  	v1 =	vld [tilespmem:s20+$0x190]  }
0x140: {  	v0 =	vadd.f32 v2, v0  }
0x141: {  	v2 =	vld [tilespmem:s20+$0x210]  }
0x142: {  	v0 =	vadd.f32 v3, v0  }
0x143: {  	v3 =	vld [tilespmem:s20+$0x290]  }
0x144: {  	v0 =	vadd.f32 v1, v0  }
0x145: {  	v1 =	vld [tilespmem:s20+$0x310]  }
0x146: {  	v0 =	vadd.f32 v2, v0  }
0x147: {  	v2 =	vld [tilespmem:s20+$0x390]  }
0x148: {  	v0 =	vadd.f32 v3, v0  }
0x149: {  	v3 =	vld [tilespmem:s20+$0x410]  }
0x14a: {  	v0 =	vadd.f32 v1, v0  }
0x14b: {  	v1 =	vld [tilespmem:s20+$0x490]  }
0x14c: {  	v0 =	vadd.f32 v2, v0;
	_ =	sdelay $0x1  }
0x14d: {  	v0 =	vadd.f32 v3, v0;
	_ =	sdelay $0x1  }
0x14e: {  	v0 =	vadd.f32 v1, v0;
	_ =	sdelay $0x1  }
0x14f: {  	v0 =	vmul.f32 $5.000000070e-02, v0;
	_ =	sdelay $0x1  }
0x150: {  	v0 =	vadd.f32 v0, v0;
	_ =	sdelay $0x1  }
0x151: {  	v0 =	vmul.f32 $1.442695020e+00, v0;
	_ =	sdelay $0x1  }
0x152: {  	(erf) = vpow2.f32 v0;
	_ =	sdelay $0x8  }
0x153: {  	v0 =	vpop (erf)  }
0x154: {  	v0 =	vadd.f32 $1.000000000e+00, v0;
	_ =	sdelay $0x1  }
0x155: {  	(erf) = vrcp.f32 v0;
	_ =	sdelay $0x8  }
0x156: {  	v0 =	vpop (erf)  }
0x157: {  	v0 =	vadd.f32 v0, v0;
	_ =	sdelay $0x1  }
0x158: {  	v0 =	vsub.f32 $1.000000000e+00, v0;
	_ =	sdelay $0x1  }
0x159: {  	[tilespmem:s21+$0x14410] =	vst v0  }
0x15a: {  	v0 =	vld [tilespmem:s20+$0xFFFFFB20]  }
0x15b: {  	v1 =	vld [tilespmem:s20+$0xFFFFFBA0];
	_ =	sdelay $0x1  }
0x15c: {  	v2 =	vld [tilespmem:s20+$0xFFFFFC20];
	_ =	sdelay $0x1  }
0x15d: {  	v3 =	vld [tilespmem:s20+$0xFFFFFCA0]  }
0x15e: {  	v0 =	vadd.f32 v1, v0  }
0x15f: {  	v1 =	vld [tilespmem:s20+$0xFFFFFD20]  }
0x160: {  	v0 =	vadd.f32 v2, v0  }
0x161: {  	v2 =	vld [tilespmem:s20+$0xFFFFFDA0]  }
0x162: {  	v0 =	vadd.f32 v3, v0  }
0x163: {  	v3 =	vld [tilespmem:s20+$0xFFFFFE20]  }
0x164: {  	v0 =	vadd.f32 v1, v0  }
0x165: {  	v1 =	vld [tilespmem:s20+$0xFFFFFEA0]  }
0x166: {  	v0 =	vadd.f32 v2, v0  }
0x167: {  	v2 =	vld [tilespmem:s20+$0xFFFFFF20]  }
0x168: {  	v0 =	vadd.f32 v3, v0  }
0x169: {  	v3 =	vld [tilespmem:s20+$0xFFFFFFA0]  }
0x16a: {  	v0 =	vadd.f32 v1, v0  }
0x16b: {  	v1 =	vld [tilespmem:s20+$0x20]  }
0x16c: {  	v0 =	vadd.f32 v2, v0  }
0x16d: {  	v2 =	vld [tilespmem:s20+$0xA0]  }
0x16e: {  	v0 =	vadd.f32 v3, v0  }
0x16f: {  	v3 =	vld [tilespmem:s20+$0x120]  }
0x170: {  	v0 =	vadd.f32 v1, v0  }
0x171: {  	v1 =	vld [tilespmem:s20+$0x1A0]  }
0x172: {  	v0 =	vadd.f32 v2, v0  }
0x173: {  	v2 =	vld [tilespmem:s20+$0x220]  }
0x174: {  	v0 =	vadd.f32 v3, v0  }
0x175: {  	v3 =	vld [tilespmem:s20+$0x2A0]  }
0x176: {  	v0 =	vadd.f32 v1, v0  }
0x177: {  	v1 =	vld [tilespmem:s20+$0x320]  }
0x178: {  	v0 =	vadd.f32 v2, v0  }
0x179: {  	v2 =	vld [tilespmem:s20+$0x3A0]  }
0x17a: {  	v0 =	vadd.f32 v3, v0  }
0x17b: {  	v3 =	vld [tilespmem:s20+$0x420]  }
0x17c: {  	v0 =	vadd.f32 v1, v0  }
0x17d: {  	v1 =	vld [tilespmem:s20+$0x4A0]  }
0x17e: {  	v0 =	vadd.f32 v2, v0;
	_ =	sdelay $0x1  }
0x17f: {  	v0 =	vadd.f32 v3, v0;
	_ =	sdelay $0x1  }
0x180: {  	v0 =	vadd.f32 v1, v0;
	_ =	sdelay $0x1  }
0x181: {  	v0 =	vmul.f32 $5.000000070e-02, v0;
	_ =	sdelay $0x1  }
0x182: {  	v0 =	vadd.f32 v0, v0;
	_ =	sdelay $0x1  }
0x183: {  	v0 =	vmul.f32 $1.442695020e+00, v0;
	_ =	sdelay $0x1  }
0x184: {  	(erf) = vpow2.f32 v0;
	_ =	sdelay $0x8  }
0x185: {  	v0 =	vpop (erf)  }
0x186: {  	v0 =	vadd.f32 $1.000000000e+00, v0;
	_ =	sdelay $0x1  }
0x187: {  	(erf) = vrcp.f32 v0;
	_ =	sdelay $0x8  }
0x188: {  	v0 =	vpop (erf)  }
0x189: {  	v0 =	vadd.f32 v0, v0;
	_ =	sdelay $0x1  }
0x18a: {  	v0 =	vsub.f32 $1.000000000e+00, v0;
	_ =	sdelay $0x1  }
0x18b: {  	[tilespmem:s21+$0x14420] =	vst v0  }
0x18c: {  	v0 =	vld [tilespmem:s20+$0xFFFFFB30]  }
0x18d: {  	v1 =	vld [tilespmem:s20+$0xFFFFFBB0]  }
0x18e: {  	v2 =	vld [tilespmem:s20+$0xFFFFFC30]  }
0x18f: {  	v3 =	vld [tilespmem:s20+$0xFFFFFCB0]  }
0x190: {  	v4 =	vld [tilespmem:s20+$0xFFFFFD30]  }
0x191: {  	v5 =	vld [tilespmem:s20+$0xFFFFFDB0]  }
0x192: {  	v0 =	vadd.f32 v1, v0;
	v1 =	vld [tilespmem:s20+$0xFFFFFE30]  }
0x193: {  	v6 =	vld [tilespmem:s20+$0xFFFFFEB0]  }
0x194: {  	v0 =	vadd.f32 v2, v0;
	v2 =	vld [tilespmem:s20+$0xFFFFFF30]  }
0x195: {  	v7 =	vld [tilespmem:s20+$0xFFFFFFB0]  }
0x196: {  	v0 =	vadd.f32 v3, v0;
	v3 =	vld [tilespmem:s20+$0x30]  }
0x197: {  	v8 =	vld [tilespmem:s20+$0xB0]  }
0x198: {  	v0 =	vadd.f32 v4, v0;
	v4 =	vld [tilespmem:s20+$0x130]  }
0x199: {  	v9 =	vld [tilespmem:s20+$0x1B0]  }
0x19a: {  	v0 =	vadd.f32 v5, v0;
	v5 =	vld [tilespmem:s20+$0x230]  }
0x19b: {  	v10 =	vld [tilespmem:s20+$0x2B0]  }
0x19c: {  	v0 =	vadd.f32 v1, v0;
	v1 =	vld [tilespmem:s20+$0x330]  }
0x19d: {  	v11 =	vld [tilespmem:s20+$0x3B0]  }
0x19e: {  	v0 =	vadd.f32 v6, v0;
	v6 =	vld [tilespmem:s20+$0x430]  }
0x19f: {  	v12 =	vld [tilespmem:s20+$0x4B0]  }
0x1a0: {  	v0 =	vadd.f32 v2, v0;
	_ =	sdelay $0x1  }
0x1a1: {  	v0 =	vadd.f32 v7, v0;
	_ =	sdelay $0x1  }
0x1a2: {  	v0 =	vadd.f32 v3, v0;
	_ =	sdelay $0x1  }
0x1a3: {  	v0 =	vadd.f32 v8, v0;
	_ =	sdelay $0x1  }
0x1a4: {  	v0 =	vadd.f32 v4, v0;
	_ =	sdelay $0x1  }
0x1a5: {  	v0 =	vadd.f32 v9, v0;
	_ =	sdelay $0x1  }
0x1a6: {  	v0 =	vadd.f32 v5, v0;
	_ =	sdelay $0x1  }
0x1a7: {  	v0 =	vadd.f32 v10, v0;
	_ =	sdelay $0x1  }
0x1a8: {  	v0 =	vadd.f32 v1, v0;
	_ =	sdelay $0x1  }
0x1a9: {  	v0 =	vadd.f32 v11, v0;
	_ =	sdelay $0x1  }
0x1aa: {  	v0 =	vadd.f32 v6, v0;
	_ =	sdelay $0x1  }
0x1ab: {  	v0 =	vadd.f32 v12, v0;
	_ =	sdelay $0x1  }
0x1ac: {  	v0 =	vmul.f32 $5.000000070e-02, v0;
	_ =	sdelay $0x1  }
0x1ad: {  	v0 =	vadd.f32 v0, v0;
	_ =	sdelay $0x1  }
0x1ae: {  	v0 =	vmul.f32 $1.442695020e+00, v0;
	_ =	sdelay $0x1  }
0x1af: {  	(erf) = vpow2.f32 v0;
	_ =	sdelay $0x8  }
0x1b0: {  	v0 =	vpop (erf)  }
0x1b1: {  	v0 =	vadd.f32 $1.000000000e+00, v0;
	_ =	sdelay $0x1  }
0x1b2: {  	(erf) = vrcp.f32 v0;
	_ =	sdelay $0x4  }
.Ltmp0:
0x1b3: {  	(pc) =	sbr.rel @p0 .LBB2_2-.Ltmp0, $2  }
0x1b4: {  	_ =	sdelay $0x2  }
0x1b5: {  	v0 =	vpop (erf)  }
0x1b6: {  	v0 =	vadd.f32 v0, v0;
	_ =	sdelay $0x1  }
0x1b7: {  	s19 =	sadd.s32 $0x1, s19;
	v0 =	vsub.f32 $1.000000000e+00, v0  }
0x1b8: {  	p0 =	sne.s32 s19, s6  }
.Ltmp1:
0x1b9: {  	[tilespmem:s21+$0x14430] =	vst v0;
	(pc) =	sbr.rel @p0 .LBB2_1-.Ltmp1, $4  }
0x1ba: {  	[hbm4b:s5+s2] =	stream.linear.scatter [tilespmem:s18], [sflag:$0x2], $0x1000, $0x38;
	[tilespmem:$0x15400] =	vst v63  }
0x1bb: {  	_ =	swait.ge [sflag:s7], $0x1000  }
0x1bc: {  	[sflag:s7] =	ssyncset.done $0x0  }
0x1bd: {  	[sflag:s7] =	ssyncadd.s32 $0xFFFFF000  }
0x1be: {  	_ =	sfence.sel $0x180000  }
0x1bf: {  	[bflag:$0x0] =	sbarrier.arrive $0xFFFF  }
0x1c0: {  	p0 =	sne.s32 s1, $0x0;
	_ =	strace $0x90000047  }
0x1c1: {  	s0 =	sadd.s32 @!p0 $0x100000, s0;
	[bflag:$0x2] =	sbarrier.arrive $0xFFFF  }
0x1c2: {  	[sflag:s0] =	ssyncadd.tile.s32 @!p0 $0x1;
	_ =	shalt  }
.Lfunc_end2:
_tile_overlayer_lowered:
.L_overlay_start_2:
0x1c3: {  	(tag) =	ssettag $0x2  }
0x1c4: {  	s0 =	rddreg [dreg:$0x0];
	s2 =	stileid.u32  }
0x1c5: {  	s1 =	rddreg [dreg:$0x1];
	p0 =	sne.s32 s2, $0x0  }
0x1c6: {  	s3 =	rddreg [dreg:$0x2];
	[bflag:$0x3] =	sbarrier.arrive $0xFFFF;
	s2 =	simm.s32 @!p0 $0x1C02  }
0x1c7: {  	[timem:s3], [sflag:s2] =	dma.local @!p0 [hbm:s0], s1  }
0x1c8: {  	s0 =	simm.s32 @!p0 $0x2  }
0x1c9: {  	_ =	swait.ge @!p0 [sflag:s0], s1  }
0x1ca: {  	s1 =	ssub.s32 @!p0 $0x0, s1;
	[sflag:s0] =	ssyncset.done @!p0 $0x0  }
0x1cb: {  	[sflag:s0] =	ssyncadd.s32 @!p0 s1  }
0x1cc: {  	[bflag:$0x3] =	sbarrier.arrive $0xFFFF  }
0x1cd: {  	_ =	shalt  }

</sc_bundles>
